<compile_context>
chip_gen: v7x
topology: tpu7x:2x2x1
jax: 0.10.2.dev20260603
libtpu: 0.0.44.dev20260713+nightly
codegen_flags: <defaults>
</compile_context>

<pallas_src>
import functools

import jax
import jax.numpy as jnp
from jax import lax
from jax.experimental import pallas as pl
from jax.experimental.pallas import tpu as pltpu
from jax.experimental.pallas import tpu_sc as plsc

B, T, CIN, CD, K = 8, 1024, 768, 32, 8192
N = B * T

_N_TILE1 = 512


def _tc1_body(z_ref, wc_ref, bc_ref, emb_ref, zf_ref, idx_ref):
    zc = jnp.dot(z_ref[...], wc_ref[...], preferred_element_type=jnp.float32)
    zc = zc + bc_ref[...]
    zf_ref[...] = zc
    sim = lax.dot_general(
        zc,
        emb_ref[...],
        (((1,), (1,)), ((), ())),
        preferred_element_type=jnp.float32,
    )
    lane = lax.broadcasted_iota(jnp.int32, (_N_TILE1, 128), 1).astype(
        jnp.float32
    )
    m = sim[:, 0:128]
    mi = lane
    for blk in range(1, K // 128):
        x = sim[:, blk * 128:(blk + 1) * 128]
        upd = x > m
        m = jnp.where(upd, x, m)
        mi = jnp.where(upd, lane + jnp.float32(blk * 128), mi)
    mrow = jnp.max(m, axis=1, keepdims=True)
    idxf = jnp.min(jnp.where(m == mrow, mi, jnp.float32(K)), axis=1)
    idx_ref[...] = idxf.astype(jnp.int32)


def _tc1(z2d, Wc, bc2d, emb):
    return pl.pallas_call(
        _tc1_body,
        grid=(N // _N_TILE1,),
        in_specs=[
            pl.BlockSpec((_N_TILE1, CIN), lambda i: (i, 0)),
            pl.BlockSpec((CIN, CD), lambda i: (0, 0)),
            pl.BlockSpec((1, CD), lambda i: (0, 0)),
            pl.BlockSpec((K, CD), lambda i: (0, 0)),
        ],
        out_specs=[
            pl.BlockSpec((_N_TILE1, CD), lambda i: (i, 0)),
            pl.BlockSpec((_N_TILE1,), lambda i: (i,)),
        ],
        out_shape=[
            jax.ShapeDtypeStruct((N, CD), jnp.float32),
            jax.ShapeDtypeStruct((N,), jnp.int32),
        ],
    )(z2d, Wc, bc2d, emb)


_NC = 2
_NS = 16
_NW = _NC * _NS
_CHUNK = 128
_CHUNKS_PER_W = N // (_NW * _CHUNK)


def _sc_gather_body(emb_hbm, idx_hbm, out_hbm, idx_v, rows_v, sem):
    wid = lax.axis_index("s") * _NC + lax.axis_index("c")
    base = wid * _CHUNKS_PER_W
    pltpu.sync_copy(idx_hbm.at[pl.ds(base, _CHUNKS_PER_W)], idx_v)
    copies = [
        pltpu.async_copy(
            emb_hbm.at[idx_v.at[j]],
            rows_v.at[pl.ds(j * _CHUNK, _CHUNK)],
            sem,
        )
        for j in range(_CHUNKS_PER_W)
    ]
    for c in copies:
        c.wait()
    pltpu.sync_copy(
        rows_v,
        out_hbm.at[pl.ds(base * _CHUNK, _CHUNKS_PER_W * _CHUNK)],
    )


@functools.cache
def _sc_gather_kernel():
    return pl.kernel(
        _sc_gather_body,
        mesh=plsc.VectorSubcoreMesh(core_axis_name="c", subcore_axis_name="s"),
        compiler_params=pltpu.CompilerParams(use_tc_tiling_on_sc=False),
        out_type=jax.ShapeDtypeStruct((N, CD), jnp.float32),
        scratch_types=[
            pltpu.VMEM((_CHUNKS_PER_W, _CHUNK), jnp.int32),
            pltpu.VMEM((_CHUNKS_PER_W * _CHUNK, CD), jnp.float32),
            pltpu.SemaphoreType.DMA,
        ],
    )


def _sc_gather(emb, idx2d):
    return _sc_gather_kernel()(emb, idx2d)


_N_TILE2 = 4096


def _tc2_body(zf_ref, zq_ref, we_ref, be_ref, out_ref, acc_ref):
    zf = zf_ref[...]
    zq = zq_ref[...]
    zq_st = (zq + zf) - zf
    out_ref[...] = (
        jnp.dot(zq_st, we_ref[...], preferred_element_type=jnp.float32)
        + be_ref[...]
    )
    num = jnp.sum(zq * zf, axis=1)
    na = jnp.maximum(jnp.sqrt(jnp.sum(zq * zq, axis=1)), 1e-8)
    nb = jnp.maximum(jnp.sqrt(jnp.sum(zf * zf, axis=1)), 1e-8)
    part = jnp.sum(num / (na * nb)).reshape(1, 1)
    prev = jnp.where(
        pl.program_id(0) == 0, jnp.zeros((1, 1), jnp.float32), acc_ref[...]
    )
    acc_ref[...] = prev + part


def _tc2(zf2d, zq2d, We, be2d):
    return pl.pallas_call(
        _tc2_body,
        grid=(N // _N_TILE2,),
        in_specs=[
            pl.BlockSpec((_N_TILE2, CD), lambda i: (i, 0)),
            pl.BlockSpec((_N_TILE2, CD), lambda i: (i, 0)),
            pl.BlockSpec((CD, CIN), lambda i: (0, 0)),
            pl.BlockSpec((1, CIN), lambda i: (0, 0)),
        ],
        out_specs=[
            pl.BlockSpec((_N_TILE2, CIN), lambda i: (i, 0)),
            pl.BlockSpec((1, 1), lambda i: (0, 0)),
        ],
        out_shape=[
            jax.ShapeDtypeStruct((N, CIN), jnp.float32),
            jax.ShapeDtypeStruct((1, 1), jnp.float32),
        ],
    )(zf2d, zq2d, We, be2d)


def kernel(z, emb, Wc, bc, We, be):
    z2d = z.reshape(N, CIN)
    zf2d, idx = _tc1(z2d, Wc, bc.reshape(1, CD), emb)
    zq2d = _sc_gather(emb, idx.reshape(N // _CHUNK, _CHUNK))
    out2d, acc = _tc2(zf2d, zq2d, We, be.reshape(1, CIN))
    loss = 3.0 * (1.0 - acc[0, 0] / N)
    return (out2d.reshape(B, T, CIN), loss)

# --- scband reference (transcript-rebuilt; emitter-appended) ---
"""Pipeline reference for scband-vector-quantizer-cos-sim-1271310319902 (READ-ONLY COPY).

The authoritative reference and input builder live on the scoring server;
editing this copy changes nothing except your own understanding.
"""

import jax, jax.numpy as jnp
import numpy as np

B, T, CIN, CD, K = 8, 1024, 768, 32, 8192

def setup_inputs(seed: int = 0) -> dict:
    key = jax.random.key(seed)
    k1, k2, k3, k4 = jax.random.split(key, 4)
    z = jax.random.normal(k1, (B, T, CIN), dtype=jnp.float32)
    # embedding initialized with trunc_normal_(mean=0, std=1, a=-3, b=3)
    emb = jax.random.truncated_normal(k2, -3.0, 3.0, (K, CD), dtype=jnp.float32)
    # Linear layers stored in [in, out] layout (y = x @ W + b)
    Wc = jax.random.normal(k3, (CIN, CD), dtype=jnp.float32) * (1.0 / np.sqrt(CIN))
    bc = jnp.zeros((CD,), dtype=jnp.float32)
    We = jax.random.normal(k4, (CD, CIN), dtype=jnp.float32) * (1.0 / np.sqrt(CD))
    be = jnp.zeros((CIN,), dtype=jnp.float32)
    return {"z": z, "emb": emb, "Wc": Wc, "bc": bc, "We": We, "be": be}

def _cos_sim(a, b, eps=1e-8):
    num = jnp.sum(a * b, axis=-1)
    na = jnp.maximum(jnp.sqrt(jnp.sum(a * a, axis=-1)), eps)
    nb = jnp.maximum(jnp.sqrt(jnp.sum(b * b, axis=-1)), eps)
    return num / (na * nb)

def reference(z, emb, Wc, bc, We, be):
    # training-mode forward (module default self.training=True)
    zc = z @ Wc + bc                      # compress: [B, T, CD]
    zf = zc.reshape(-1, zc.shape[-1])     # [B*T, CD]
    cos_sim = zf @ emb.T                  # [B*T, K] (unnormalized dot, as in original)
    idx = jnp.argmax(cos_sim, axis=1)     # [B*T]
    zq = jnp.take(emb, idx, axis=0)       # gather: [B*T, CD]
    sg = jax.lax.stop_gradient
    loss = (1.0 - _cos_sim(sg(zq), zf)).mean() + 2.0 * (1.0 - _cos_sim(zq, sg(zf))).mean()
    # straight-through estimator
    zq_st = sg(zq) + zf - sg(zf)
    zq_st = zq_st.reshape(zc.shape)
    out = zq_st @ We + be                 # expand: [B, T, CIN]
    return (out, loss)

if __name__ == "__main__":
    import jax
    _d = setup_inputs()
    print(jax.jit(kernel)(*tuple(_d.values())))

</pallas_src>

<mosaic_0001>
#map = affine_map<(d0, d1) -> (0, 0)>
module attributes {stable_mosaic.version = 14 : i64} {
  func.func @_sc_gather_body(%arg0: i32, %arg1: i32, %arg2: memref<8192x32xf32, #tpu.memory_space<hbm>>, %arg3: memref<64x128xi32, #tpu.memory_space<hbm>>, %arg4: memref<8192x32xf32, #tpu.memory_space<hbm>>, %arg5: memref<2x128xi32, #tpu.memory_space<vmem>>, %arg6: memref<256x32xf32, #tpu.memory_space<vmem>>, %arg7: memref<!tpu.dma_semaphore, #tpu.memory_space<semaphore_mem>>) attributes {dimension_semantics = [#tpu.dimension_semantics<core_parallel>, #tpu.dimension_semantics<subcore_parallel>], iteration_bounds = array<i64: 2, 16>, scalar_prefetch = 0 : i64, scratch_operands = 3 : i64, tpu.core_type = #tpu.core_type<sc_vector_subcore>, window_params = [{transform_indices = #map}, {transform_indices = #map}, {transform_indices = #map}]} {
    %mul3A = arith.constant 2 : i32
    %mul3A_0 = arith.muli %arg1, %mul3A : i32
    %add3A = arith.addi %mul3A_0, %arg0 : i32
    %mul3A_1 = arith.constant 2 : i32
    %mul3A_2 = arith.muli %add3A, %mul3A_1 : i32
    "tpu.region"() ({
      %run_scoped3A = tpu.sem_alloc : memref<!tpu.dma_semaphore, #tpu.memory_space<semaphore_mem>>
      %dma_start3A_43 = arith.constant 0 : i32
      %dma_start3A_44 = tpu.memref_slice %arg3[%mul3A_2, %dma_start3A_43] : memref<64x128xi32, #tpu.memory_space<hbm>> -> memref<2x128xi32, #tpu.memory_space<hbm>>
      %dma_start3A_45 = arith.constant 0 : i32
      %dma_start3A_46 = tpu.memref_slice %arg3[%mul3A_2, %dma_start3A_45] : memref<64x128xi32, #tpu.memory_space<hbm>> -> memref<2x128xi32, #tpu.memory_space<hbm>>
      tpu.enqueue_dma source(%dma_start3A_46 : memref<2x128xi32, #tpu.memory_space<hbm>>) target(%arg5 : memref<2x128xi32, #tpu.memory_space<vmem>>) target_semaphore(%run_scoped3A : memref<!tpu.dma_semaphore, #tpu.memory_space<semaphore_mem>>)
      %dma_wait3A_47 = arith.constant 0 : i32
      %dma_wait3A_48 = tpu.memref_slice %arg3[%mul3A_2, %dma_wait3A_47] : memref<64x128xi32, #tpu.memory_space<hbm>> -> memref<2x128xi32, #tpu.memory_space<hbm>>
      %dma_wait3A_49 = arith.constant 0 : i32
      %dma_wait3A_50 = tpu.memref_slice %arg3[%mul3A_2, %dma_wait3A_49] : memref<64x128xi32, #tpu.memory_space<hbm>> -> memref<2x128xi32, #tpu.memory_space<hbm>>
      tpu.wait_dma2 semaphore(%run_scoped3A : memref<!tpu.dma_semaphore, #tpu.memory_space<semaphore_mem>>) src(%dma_wait3A_50 : memref<2x128xi32, #tpu.memory_space<hbm>>) dst(%arg5 : memref<2x128xi32, #tpu.memory_space<vmem>>)
      tpu.yield
    }) : () -> ()
    %dma_start3A = arith.constant 0 : i32
    %dma_start3A_3 = arith.constant 0 : i32
    %dma_start3A_4 = arith.constant 0 : i32
    %dma_start3A_5 = tpu.memref_slice %arg6[%dma_start3A_3, %dma_start3A_4] : memref<256x32xf32, #tpu.memory_space<vmem>> -> memref<128x32xf32, #tpu.memory_space<vmem>>
    %dma_start3A_6 = arith.constant 0 : i32
    %dma_start3A_7 = tpu.memref_slice %arg5[%dma_start3A, %dma_start3A_6] : memref<2x128xi32, #tpu.memory_space<vmem>> -> memref<1x128xi32, #tpu.memory_space<vmem>>
    %dma_start3A_8 = tpu.memref_squeeze %dma_start3A_7 : memref<1x128xi32, #tpu.memory_space<vmem>> -> memref<128xi32, #tpu.memory_space<vmem>>
    %dma_start3A_9 = arith.constant 0 : i32
    %dma_start3A_10 = arith.constant 0 : i32
    %dma_start3A_11 = tpu.memref_slice %arg2[%dma_start3A_9, %dma_start3A_10] : memref<8192x32xf32, #tpu.memory_space<hbm>> -> memref<8192x32xf32, #tpu.memory_space<hbm>>
    tpu.enqueue_indirect_dma source(%dma_start3A_11 : memref<8192x32xf32, #tpu.memory_space<hbm>>) target(%dma_start3A_5 : memref<128x32xf32, #tpu.memory_space<vmem>>) offsets(%dma_start3A_8 : memref<128xi32, #tpu.memory_space<vmem>>) semaphore(%arg7 : memref<!tpu.dma_semaphore, #tpu.memory_space<semaphore_mem>>)
    %dma_start3A_12 = arith.constant 1 : i32
    %dma_start3A_13 = arith.constant 128 : i32
    %dma_start3A_14 = arith.constant 0 : i32
    %dma_start3A_15 = tpu.memref_slice %arg6[%dma_start3A_13, %dma_start3A_14] : memref<256x32xf32, #tpu.memory_space<vmem>> -> memref<128x32xf32, #tpu.memory_space<vmem>>
    %dma_start3A_16 = arith.constant 0 : i32
    %dma_start3A_17 = tpu.memref_slice %arg5[%dma_start3A_12, %dma_start3A_16] : memref<2x128xi32, #tpu.memory_space<vmem>> -> memref<1x128xi32, #tpu.memory_space<vmem>>
    %dma_start3A_18 = tpu.memref_squeeze %dma_start3A_17 : memref<1x128xi32, #tpu.memory_space<vmem>> -> memref<128xi32, #tpu.memory_space<vmem>>
    %dma_start3A_19 = arith.constant 0 : i32
    %dma_start3A_20 = arith.constant 0 : i32
    %dma_start3A_21 = tpu.memref_slice %arg2[%dma_start3A_19, %dma_start3A_20] : memref<8192x32xf32, #tpu.memory_space<hbm>> -> memref<8192x32xf32, #tpu.memory_space<hbm>>
    tpu.enqueue_indirect_dma source(%dma_start3A_21 : memref<8192x32xf32, #tpu.memory_space<hbm>>) target(%dma_start3A_15 : memref<128x32xf32, #tpu.memory_space<vmem>>) offsets(%dma_start3A_18 : memref<128xi32, #tpu.memory_space<vmem>>) semaphore(%arg7 : memref<!tpu.dma_semaphore, #tpu.memory_space<semaphore_mem>>)
    %dma_wait3A = arith.constant 0 : i32
    %dma_wait3A_22 = arith.constant 0 : i32
    %dma_wait3A_23 = arith.constant 0 : i32
    %dma_wait3A_24 = tpu.memref_slice %arg6[%dma_wait3A_22, %dma_wait3A_23] : memref<256x32xf32, #tpu.memory_space<vmem>> -> memref<128x32xf32, #tpu.memory_space<vmem>>
    %dma_wait3A_25 = arith.constant 0 : i32
    %dma_wait3A_26 = tpu.memref_slice %arg5[%dma_wait3A, %dma_wait3A_25] : memref<2x128xi32, #tpu.memory_space<vmem>> -> memref<1x128xi32, #tpu.memory_space<vmem>>
    %dma_wait3A_27 = tpu.memref_squeeze %dma_wait3A_26 : memref<1x128xi32, #tpu.memory_space<vmem>> -> memref<128xi32, #tpu.memory_space<vmem>>
    %dma_wait3A_28 = arith.constant 0 : i32
    %dma_wait3A_29 = arith.constant 0 : i32
    %dma_wait3A_30 = tpu.memref_slice %arg2[%dma_wait3A_28, %dma_wait3A_29] : memref<8192x32xf32, #tpu.memory_space<hbm>> -> memref<8192x32xf32, #tpu.memory_space<hbm>>
    tpu.wait_indirect_dma semaphore(%arg7 : memref<!tpu.dma_semaphore, #tpu.memory_space<semaphore_mem>>) src(%dma_wait3A_30 : memref<8192x32xf32, #tpu.memory_space<hbm>>) dst(%dma_wait3A_24 : memref<128x32xf32, #tpu.memory_space<vmem>>)
    %dma_wait3A_31 = arith.constant 1 : i32
    %dma_wait3A_32 = arith.constant 128 : i32
    %dma_wait3A_33 = arith.constant 0 : i32
    %dma_wait3A_34 = tpu.memref_slice %arg6[%dma_wait3A_32, %dma_wait3A_33] : memref<256x32xf32, #tpu.memory_space<vmem>> -> memref<128x32xf32, #tpu.memory_space<vmem>>
    %dma_wait3A_35 = arith.constant 0 : i32
    %dma_wait3A_36 = tpu.memref_slice %arg5[%dma_wait3A_31, %dma_wait3A_35] : memref<2x128xi32, #tpu.memory_space<vmem>> -> memref<1x128xi32, #tpu.memory_space<vmem>>
    %dma_wait3A_37 = tpu.memref_squeeze %dma_wait3A_36 : memref<1x128xi32, #tpu.memory_space<vmem>> -> memref<128xi32, #tpu.memory_space<vmem>>
    %dma_wait3A_38 = arith.constant 0 : i32
    %dma_wait3A_39 = arith.constant 0 : i32
    %dma_wait3A_40 = tpu.memref_slice %arg2[%dma_wait3A_38, %dma_wait3A_39] : memref<8192x32xf32, #tpu.memory_space<hbm>> -> memref<8192x32xf32, #tpu.memory_space<hbm>>
    tpu.wait_indirect_dma semaphore(%arg7 : memref<!tpu.dma_semaphore, #tpu.memory_space<semaphore_mem>>) src(%dma_wait3A_40 : memref<8192x32xf32, #tpu.memory_space<hbm>>) dst(%dma_wait3A_34 : memref<128x32xf32, #tpu.memory_space<vmem>>)
    %mul3A_41 = arith.constant 128 : i32
    %mul3A_42 = arith.muli %mul3A_2, %mul3A_41 : i32
    "tpu.region"() ({
      %run_scoped3A = tpu.sem_alloc : memref<!tpu.dma_semaphore, #tpu.memory_space<semaphore_mem>>
      %dma_start3A_43 = arith.constant 0 : i32
      %dma_start3A_44 = tpu.memref_slice %arg4[%mul3A_42, %dma_start3A_43] : memref<8192x32xf32, #tpu.memory_space<hbm>> -> memref<256x32xf32, #tpu.memory_space<hbm>>
      %dma_start3A_45 = arith.constant 0 : i32
      %dma_start3A_46 = tpu.memref_slice %arg4[%mul3A_42, %dma_start3A_45] : memref<8192x32xf32, #tpu.memory_space<hbm>> -> memref<256x32xf32, #tpu.memory_space<hbm>>
      tpu.enqueue_dma source(%arg6 : memref<256x32xf32, #tpu.memory_space<vmem>>) target(%dma_start3A_46 : memref<256x32xf32, #tpu.memory_space<hbm>>) target_semaphore(%run_scoped3A : memref<!tpu.dma_semaphore, #tpu.memory_space<semaphore_mem>>)
      %dma_wait3A_47 = arith.constant 0 : i32
      %dma_wait3A_48 = tpu.memref_slice %arg4[%mul3A_42, %dma_wait3A_47] : memref<8192x32xf32, #tpu.memory_space<hbm>> -> memref<256x32xf32, #tpu.memory_space<hbm>>
      %dma_wait3A_49 = arith.constant 0 : i32
      %dma_wait3A_50 = tpu.memref_slice %arg4[%mul3A_42, %dma_wait3A_49] : memref<8192x32xf32, #tpu.memory_space<hbm>> -> memref<256x32xf32, #tpu.memory_space<hbm>>
      tpu.wait_dma2 semaphore(%run_scoped3A : memref<!tpu.dma_semaphore, #tpu.memory_space<semaphore_mem>>) src(%arg6 : memref<256x32xf32, #tpu.memory_space<vmem>>) dst(%dma_wait3A_50 : memref<256x32xf32, #tpu.memory_space<hbm>>)
      tpu.yield
    }) : () -> ()
    return
  }
}

module attributes {stable_mosaic.version = 14 : i64} {
  func.func @_tc1_body(%arg0: i32, %arg1: memref<512x768xf32, #tpu.memory_space<vmem>>, %arg2: memref<768x32xf32, #tpu.memory_space<vmem>>, %arg3: memref<1x32xf32, #tpu.memory_space<vmem>>, %arg4: memref<8192x32xf32, #tpu.memory_space<vmem>>, %arg5: memref<512x32xf32, #tpu.memory_space<vmem>>, %arg6: memref<512xi32, #tpu.memory_space<vmem>>) attributes {dimension_semantics = [#tpu.dimension_semantics<arbitrary>], iteration_bounds = array<i64: 16>, scalar_prefetch = 0 : i64, scratch_operands = 0 : i64, tpu.core_type = #tpu.core_type<tc>, window_params = [{transform_indices = @transform_0, window_bounds = array<i64: 512, 768>}, {pipeline_mode = #tpu.pipeline_mode<synchronous>, transform_indices = @transform_1, window_bounds = array<i64: 768, 32>}, {pipeline_mode = #tpu.pipeline_mode<synchronous>, transform_indices = @transform_2, window_bounds = array<i64: 1, 32>}, {pipeline_mode = #tpu.pipeline_mode<synchronous>, transform_indices = @transform_3, window_bounds = array<i64: 8192, 32>}, {transform_indices = @transform_4, window_bounds = array<i64: 512, 32>}, {transform_indices = @transform_5, window_bounds = array<i64: 512>}]} {
    %get3A = arith.constant 0 : index
    %get3A_0 = arith.constant 0 : index
    %get3A_1 = vector.load %arg1[%get3A, %get3A_0] : memref<512x768xf32, #tpu.memory_space<vmem>>, vector<512x768xf32>
    %get3A_2 = arith.constant 0 : index
    %get3A_3 = arith.constant 0 : index
    %get3A_4 = vector.load %arg2[%get3A_2, %get3A_3] : memref<768x32xf32, #tpu.memory_space<vmem>>, vector<768x32xf32>
    %dot_general3A = arith.constant dense<0.000000e+00> : vector<512x32xf32>
    %dot_general3A_5 = tpu.matmul %get3A_1, %get3A_4, %dot_general3A {dimension_numbers = #tpu.dot_dimension_numbers<[1], [0], [0], [1], [0, 0, 1, 1], [], []>, transpose_lhs_hint = false} : vector<512x768xf32>, vector<768x32xf32>, vector<512x32xf32> -> vector<512x32xf32>
    %get3A_6 = arith.constant 0 : index
    %get3A_7 = arith.constant 0 : index
    %get3A_8 = vector.load %arg3[%get3A_6, %get3A_7] : memref<1x32xf32, #tpu.memory_space<vmem>>, vector<1x32xf32>
    %add3A = vector.broadcast %get3A_8 : vector<1x32xf32> to vector<512x32xf32>
    %add3A_9 = arith.addf %dot_general3A_5, %add3A : vector<512x32xf32>
    %swap3A = arith.constant 0 : index
    %swap3A_10 = arith.constant 0 : index
    %swap3A_11 = vector.load %arg5[%swap3A, %swap3A_10] : memref<512x32xf32, #tpu.memory_space<vmem>>, vector<512x32xf32>
    tpu.vector_store %arg5[%swap3A, %swap3A_10], %add3A_9 {strides = array<i32>} : memref<512x32xf32, #tpu.memory_space<vmem>>, vector<512x32xf32>,
    %get3A_12 = arith.constant 0 : index
    %get3A_13 = arith.constant 0 : index
    %get3A_14 = vector.load %arg4[%get3A_12, %get3A_13] : memref<8192x32xf32, #tpu.memory_space<vmem>>, vector<8192x32xf32>
    %dot_general3A_15 = arith.constant dense<0.000000e+00> : vector<512x8192xf32>
    %dot_general3A_16 = tpu.matmul %add3A_9, %get3A_14, %dot_general3A_15 {dimension_numbers = #tpu.dot_dimension_numbers<[1], [1], [0], [0], [0, 0, 1, 0], [], []>, transpose_lhs_hint = false} : vector<512x32xf32>, vector<8192x32xf32>, vector<512x8192xf32> -> vector<512x8192xf32>
    %iota3A = tpu.iota {dimensions = array<i32: 1>} : vector<512x128xi32>
    %convert_element_type3A = arith.sitofp %iota3A : vector<512x128xi32> to vector<512x128xf32>
    %slice3A = vector.extract_strided_slice %dot_general3A_16 {offsets = [0, 0], sizes = [512, 128], strides = [1, 1]} : vector<512x8192xf32> to vector<512x128xf32>
    %slice3A_17 = vector.extract_strided_slice %dot_general3A_16 {offsets = [0, 128], sizes = [512, 128], strides = [1, 1]} : vector<512x8192xf32> to vector<512x128xf32>
    %gt3A = arith.cmpf ogt, %slice3A_17, %slice3A : vector<512x128xf32>
    %select_n3A = arith.select %gt3A, %slice3A_17, %slice3A : vector<512x128xi1>, vector<512x128xf32>
    %add3A_18 = arith.constant 1.280000e+02 : f32
    %add3A_19 = vector.broadcast %add3A_18 : f32 to vector<512x128xf32>
    %add3A_20 = arith.addf %convert_element_type3A, %add3A_19 : vector<512x128xf32>
    %select_n3A_21 = arith.select %gt3A, %add3A_20, %convert_element_type3A : vector<512x128xi1>, vector<512x128xf32>
    %slice3A_22 = vector.extract_strided_slice %dot_general3A_16 {offsets = [0, 256], sizes = [512, 128], strides = [1, 1]} : vector<512x8192xf32> to vector<512x128xf32>
    %gt3A_23 = arith.cmpf ogt, %slice3A_22, %select_n3A : vector<512x128xf32>
    %select_n3A_24 = arith.select %gt3A_23, %slice3A_22, %select_n3A : vector<512x128xi1>, vector<512x128xf32>
    %add3A_25 = arith.constant 2.560000e+02 : f32
    %add3A_26 = vector.broadcast %add3A_25 : f32 to vector<512x128xf32>
    %add3A_27 = arith.addf %convert_element_type3A, %add3A_26 : vector<512x128xf32>
    %select_n3A_28 = arith.select %gt3A_23, %add3A_27, %select_n3A_21 : vector<512x128xi1>, vector<512x128xf32>
    %slice3A_29 = vector.extract_strided_slice %dot_general3A_16 {offsets = [0, 384], sizes = [512, 128], strides = [1, 1]} : vector<512x8192xf32> to vector<512x128xf32>
    %gt3A_30 = arith.cmpf ogt, %slice3A_29, %select_n3A_24 : vector<512x128xf32>
    %select_n3A_31 = arith.select %gt3A_30, %slice3A_29, %select_n3A_24 : vector<512x128xi1>, vector<512x128xf32>
    %add3A_32 = arith.constant 3.840000e+02 : f32
    %add3A_33 = vector.broadcast %add3A_32 : f32 to vector<512x128xf32>
    %add3A_34 = arith.addf %convert_element_type3A, %add3A_33 : vector<512x128xf32>
    %select_n3A_35 = arith.select %gt3A_30, %add3A_34, %select_n3A_28 : vector<512x128xi1>, vector<512x128xf32>
    %slice3A_36 = vector.extract_strided_slice %dot_general3A_16 {offsets = [0, 512], sizes = [512, 128], strides = [1, 1]} : vector<512x8192xf32> to vector<512x128xf32>
    %gt3A_37 = arith.cmpf ogt, %slice3A_36, %select_n3A_31 : vector<512x128xf32>
    %select_n3A_38 = arith.select %gt3A_37, %slice3A_36, %select_n3A_31 : vector<512x128xi1>, vector<512x128xf32>
    %add3A_39 = arith.constant 5.120000e+02 : f32
    %add3A_40 = vector.broadcast %add3A_39 : f32 to vector<512x128xf32>
    %add3A_41 = arith.addf %convert_element_type3A, %add3A_40 : vector<512x128xf32>
    %select_n3A_42 = arith.select %gt3A_37, %add3A_41, %select_n3A_35 : vector<512x128xi1>, vector<512x128xf32>
    %slice3A_43 = vector.extract_strided_slice %dot_general3A_16 {offsets = [0, 640], sizes = [512, 128], strides = [1, 1]} : vector<512x8192xf32> to vector<512x128xf32>
    %gt3A_44 = arith.cmpf ogt, %slice3A_43, %select_n3A_38 : vector<512x128xf32>
    %select_n3A_45 = arith.select %gt3A_44, %slice3A_43, %select_n3A_38 : vector<512x128xi1>, vector<512x128xf32>
    %add3A_46 = arith.constant 6.400000e+02 : f32
    %add3A_47 = vector.broadcast %add3A_46 : f32 to vector<512x128xf32>
    %add3A_48 = arith.addf %convert_element_type3A, %add3A_47 : vector<512x128xf32>
    %select_n3A_49 = arith.select %gt3A_44, %add3A_48, %select_n3A_42 : vector<512x128xi1>, vector<512x128xf32>
    %slice3A_50 = vector.extract_strided_slice %dot_general3A_16 {offsets = [0, 768], sizes = [512, 128], strides = [1, 1]} : vector<512x8192xf32> to vector<512x128xf32>
    %gt3A_51 = arith.cmpf ogt, %slice3A_50, %select_n3A_45 : vector<512x128xf32>
    %select_n3A_52 = arith.select %gt3A_51, %slice3A_50, %select_n3A_45 : vector<512x128xi1>, vector<512x128xf32>
    %add3A_53 = arith.constant 7.680000e+02 : f32
    %add3A_54 = vector.broadcast %add3A_53 : f32 to vector<512x128xf32>
    %add3A_55 = arith.addf %convert_element_type3A, %add3A_54 : vector<512x128xf32>
    %select_n3A_56 = arith.select %gt3A_51, %add3A_55, %select_n3A_49 : vector<512x128xi1>, vector<512x128xf32>
    %slice3A_57 = vector.extract_strided_slice %dot_general3A_16 {offsets = [0, 896], sizes = [512, 128], strides = [1, 1]} : vector<512x8192xf32> to vector<512x128xf32>
    %gt3A_58 = arith.cmpf ogt, %slice3A_57, %select_n3A_52 : vector<512x128xf32>
    %select_n3A_59 = arith.select %gt3A_58, %slice3A_57, %select_n3A_52 : vector<512x128xi1>, vector<512x128xf32>
    %add3A_60 = arith.constant 8.960000e+02 : f32
    %add3A_61 = vector.broadcast %add3A_60 : f32 to vector<512x128xf32>
    %add3A_62 = arith.addf %convert_element_type3A, %add3A_61 : vector<512x128xf32>
    %select_n3A_63 = arith.select %gt3A_58, %add3A_62, %select_n3A_56 : vector<512x128xi1>, vector<512x128xf32>
    %slice3A_64 = vector.extract_strided_slice %dot_general3A_16 {offsets = [0, 1024], sizes = [512, 128], strides = [1, 1]} : vector<512x8192xf32> to vector<512x128xf32>
    %gt3A_65 = arith.cmpf ogt, %slice3A_64, %select_n3A_59 : vector<512x128xf32>
    %select_n3A_66 = arith.select %gt3A_65, %slice3A_64, %select_n3A_59 : vector<512x128xi1>, vector<512x128xf32>
    %add3A_67 = arith.constant 1.024000e+03 : f32
    %add3A_68 = vector.broadcast %add3A_67 : f32 to vector<512x128xf32>
    %add3A_69 = arith.addf %convert_element_type3A, %add3A_68 : vector<512x128xf32>
    %select_n3A_70 = arith.select %gt3A_65, %add3A_69, %select_n3A_63 : vector<512x128xi1>, vector<512x128xf32>
    %slice3A_71 = vector.extract_strided_slice %dot_general3A_16 {offsets = [0, 1152], sizes = [512, 128], strides = [1, 1]} : vector<512x8192xf32> to vector<512x128xf32>
    %gt3A_72 = arith.cmpf ogt, %slice3A_71, %select_n3A_66 : vector<512x128xf32>
    %select_n3A_73 = arith.select %gt3A_72, %slice3A_71, %select_n3A_66 : vector<512x128xi1>, vector<512x128xf32>
    %add3A_74 = arith.constant 1.152000e+03 : f32
    %add3A_75 = vector.broadcast %add3A_74 : f32 to vector<512x128xf32>
    %add3A_76 = arith.addf %convert_element_type3A, %add3A_75 : vector<512x128xf32>
    %select_n3A_77 = arith.select %gt3A_72, %add3A_76, %select_n3A_70 : vector<512x128xi1>, vector<512x128xf32>
    %slice3A_78 = vector.extract_strided_slice %dot_general3A_16 {offsets = [0, 1280], sizes = [512, 128], strides = [1, 1]} : vector<512x8192xf32> to vector<512x128xf32>
    %gt3A_79 = arith.cmpf ogt, %slice3A_78, %select_n3A_73 : vector<512x128xf32>
    %select_n3A_80 = arith.select %gt3A_79, %slice3A_78, %select_n3A_73 : vector<512x128xi1>, vector<512x128xf32>
    %add3A_81 = arith.constant 1.280000e+03 : f32
    %add3A_82 = vector.broadcast %add3A_81 : f32 to vector<512x128xf32>
    %add3A_83 = arith.addf %convert_element_type3A, %add3A_82 : vector<512x128xf32>
    %select_n3A_84 = arith.select %gt3A_79, %add3A_83, %select_n3A_77 : vector<512x128xi1>, vector<512x128xf32>
    %slice3A_85 = vector.extract_strided_slice %dot_general3A_16 {offsets = [0, 1408], sizes = [512, 128], strides = [1, 1]} : vector<512x8192xf32> to vector<512x128xf32>
    %gt3A_86 = arith.cmpf ogt, %slice3A_85, %select_n3A_80 : vector<512x128xf32>
    %select_n3A_87 = arith.select %gt3A_86, %slice3A_85, %select_n3A_80 : vector<512x128xi1>, vector<512x128xf32>
    %add3A_88 = arith.constant 1.408000e+03 : f32
    %add3A_89 = vector.broadcast %add3A_88 : f32 to vector<512x128xf32>
    %add3A_90 = arith.addf %convert_element_type3A, %add3A_89 : vector<512x128xf32>
    %select_n3A_91 = arith.select %gt3A_86, %add3A_90, %select_n3A_84 : vector<512x128xi1>, vector<512x128xf32>
    %slice3A_92 = vector.extract_strided_slice %dot_general3A_16 {offsets = [0, 1536], sizes = [512, 128], strides = [1, 1]} : vector<512x8192xf32> to vector<512x128xf32>
    %gt3A_93 = arith.cmpf ogt, %slice3A_92, %select_n3A_87 : vector<512x128xf32>
    %select_n3A_94 = arith.select %gt3A_93, %slice3A_92, %select_n3A_87 : vector<512x128xi1>, vector<512x128xf32>
    %add3A_95 = arith.constant 1.536000e+03 : f32
    %add3A_96 = vector.broadcast %add3A_95 : f32 to vector<512x128xf32>
    %add3A_97 = arith.addf %convert_element_type3A, %add3A_96 : vector<512x128xf32>
    %select_n3A_98 = arith.select %gt3A_93, %add3A_97, %select_n3A_91 : vector<512x128xi1>, vector<512x128xf32>
    %slice3A_99 = vector.extract_strided_slice %dot_general3A_16 {offsets = [0, 1664], sizes = [512, 128], strides = [1, 1]} : vector<512x8192xf32> to vector<512x128xf32>
    %gt3A_100 = arith.cmpf ogt, %slice3A_99, %select_n3A_94 : vector<512x128xf32>
    %select_n3A_101 = arith.select %gt3A_100, %slice3A_99, %select_n3A_94 : vector<512x128xi1>, vector<512x128xf32>
    %add3A_102 = arith.constant 1.664000e+03 : f32
    %add3A_103 = vector.broadcast %add3A_102 : f32 to vector<512x128xf32>
    %add3A_104 = arith.addf %convert_element_type3A, %add3A_103 : vector<512x128xf32>
    %select_n3A_105 = arith.select %gt3A_100, %add3A_104, %select_n3A_98 : vector<512x128xi1>, vector<512x128xf32>
    %slice3A_106 = vector.extract_strided_slice %dot_general3A_16 {offsets = [0, 1792], sizes = [512, 128], strides = [1, 1]} : vector<512x8192xf32> to vector<512x128xf32>
    %gt3A_107 = arith.cmpf ogt, %slice3A_106, %select_n3A_101 : vector<512x128xf32>
    %select_n3A_108 = arith.select %gt3A_107, %slice3A_106, %select_n3A_101 : vector<512x128xi1>, vector<512x128xf32>
    %add3A_109 = arith.constant 1.792000e+03 : f32
    %add3A_110 = vector.broadcast %add3A_109 : f32 to vector<512x128xf32>
    %add3A_111 = arith.addf %convert_element_type3A, %add3A_110 : vector<512x128xf32>
    %select_n3A_112 = arith.select %gt3A_107, %add3A_111, %select_n3A_105 : vector<512x128xi1>, vector<512x128xf32>
    %slice3A_113 = vector.extract_strided_slice %dot_general3A_16 {offsets = [0, 1920], sizes = [512, 128], strides = [1, 1]} : vector<512x8192xf32> to vector<512x128xf32>
    %gt3A_114 = arith.cmpf ogt, %slice3A_113, %select_n3A_108 : vector<512x128xf32>
    %select_n3A_115 = arith.select %gt3A_114, %slice3A_113, %select_n3A_108 : vector<512x128xi1>, vector<512x128xf32>
    %add3A_116 = arith.constant 1.920000e+03 : f32
    %add3A_117 = vector.broadcast %add3A_116 : f32 to vector<512x128xf32>
    %add3A_118 = arith.addf %convert_element_type3A, %add3A_117 : vector<512x128xf32>
    %select_n3A_119 = arith.select %gt3A_114, %add3A_118, %select_n3A_112 : vector<512x128xi1>, vector<512x128xf32>
    %slice3A_120 = vector.extract_strided_slice %dot_general3A_16 {offsets = [0, 2048], sizes = [512, 128], strides = [1, 1]} : vector<512x8192xf32> to vector<512x128xf32>
    %gt3A_121 = arith.cmpf ogt, %slice3A_120, %select_n3A_115 : vector<512x128xf32>
    %select_n3A_122 = arith.select %gt3A_121, %slice3A_120, %select_n3A_115 : vector<512x128xi1>, vector<512x128xf32>
    %add3A_123 = arith.constant 2.048000e+03 : f32
    %add3A_124 = vector.broadcast %add3A_123 : f32 to vector<512x128xf32>
    %add3A_125 = arith.addf %convert_element_type3A, %add3A_124 : vector<512x128xf32>
    %select_n3A_126 = arith.select %gt3A_121, %add3A_125, %select_n3A_119 : vector<512x128xi1>, vector<512x128xf32>
    %slice3A_127 = vector.extract_strided_slice %dot_general3A_16 {offsets = [0, 2176], sizes = [512, 128], strides = [1, 1]} : vector<512x8192xf32> to vector<512x128xf32>
    %gt3A_128 = arith.cmpf ogt, %slice3A_127, %select_n3A_122 : vector<512x128xf32>
    %select_n3A_129 = arith.select %gt3A_128, %slice3A_127, %select_n3A_122 : vector<512x128xi1>, vector<512x128xf32>
    %add3A_130 = arith.constant 2.176000e+03 : f32
    %add3A_131 = vector.broadcast %add3A_130 : f32 to vector<512x128xf32>
    %add3A_132 = arith.addf %convert_element_type3A, %add3A_131 : vector<512x128xf32>
    %select_n3A_133 = arith.select %gt3A_128, %add3A_132, %select_n3A_126 : vector<512x128xi1>, vector<512x128xf32>
    %slice3A_134 = vector.extract_strided_slice %dot_general3A_16 {offsets = [0, 2304], sizes = [512, 128], strides = [1, 1]} : vector<512x8192xf32> to vector<512x128xf32>
    %gt3A_135 = arith.cmpf ogt, %slice3A_134, %select_n3A_129 : vector<512x128xf32>
    %select_n3A_136 = arith.select %gt3A_135, %slice3A_134, %select_n3A_129 : vector<512x128xi1>, vector<512x128xf32>
    %add3A_137 = arith.constant 2.304000e+03 : f32
    %add3A_138 = vector.broadcast %add3A_137 : f32 to vector<512x128xf32>
    %add3A_139 = arith.addf %convert_element_type3A, %add3A_138 : vector<512x128xf32>
    %select_n3A_140 = arith.select %gt3A_135, %add3A_139, %select_n3A_133 : vector<512x128xi1>, vector<512x128xf32>
    %slice3A_141 = vector.extract_strided_slice %dot_general3A_16 {offsets = [0, 2432], sizes = [512, 128], strides = [1, 1]} : vector<512x8192xf32> to vector<512x128xf32>
    %gt3A_142 = arith.cmpf ogt, %slice3A_141, %select_n3A_136 : vector<512x128xf32>
    %select_n3A_143 = arith.select %gt3A_142, %slice3A_141, %select_n3A_136 : vector<512x128xi1>, vector<512x128xf32>
    %add3A_144 = arith.constant 2.432000e+03 : f32
    %add3A_145 = vector.broadcast %add3A_144 : f32 to vector<512x128xf32>
    %add3A_146 = arith.addf %convert_element_type3A, %add3A_145 : vector<512x128xf32>
    %select_n3A_147 = arith.select %gt3A_142, %add3A_146, %select_n3A_140 : vector<512x128xi1>, vector<512x128xf32>
    %slice3A_148 = vector.extract_strided_slice %dot_general3A_16 {offsets = [0, 2560], sizes = [512, 128], strides = [1, 1]} : vector<512x8192xf32> to vector<512x128xf32>
    %gt3A_149 = arith.cmpf ogt, %slice3A_148, %select_n3A_143 : vector<512x128xf32>
    %select_n3A_150 = arith.select %gt3A_149, %slice3A_148, %select_n3A_143 : vector<512x128xi1>, vector<512x128xf32>
    %add3A_151 = arith.constant 2.560000e+03 : f32
    %add3A_152 = vector.broadcast %add3A_151 : f32 to vector<512x128xf32>
    %add3A_153 = arith.addf %convert_element_type3A, %add3A_152 : vector<512x128xf32>
    %select_n3A_154 = arith.select %gt3A_149, %add3A_153, %select_n3A_147 : vector<512x128xi1>, vector<512x128xf32>
    %slice3A_155 = vector.extract_strided_slice %dot_general3A_16 {offsets = [0, 2688], sizes = [512, 128], strides = [1, 1]} : vector<512x8192xf32> to vector<512x128xf32>
    %gt3A_156 = arith.cmpf ogt, %slice3A_155, %select_n3A_150 : vector<512x128xf32>
    %select_n3A_157 = arith.select %gt3A_156, %slice3A_155, %select_n3A_150 : vector<512x128xi1>, vector<512x128xf32>
    %add3A_158 = arith.constant 2.688000e+03 : f32
    %add3A_159 = vector.broadcast %add3A_158 : f32 to vector<512x128xf32>
    %add3A_160 = arith.addf %convert_element_type3A, %add3A_159 : vector<512x128xf32>
    %select_n3A_161 = arith.select %gt3A_156, %add3A_160, %select_n3A_154 : vector<512x128xi1>, vector<512x128xf32>
    %slice3A_162 = vector.extract_strided_slice %dot_general3A_16 {offsets = [0, 2816], sizes = [512, 128], strides = [1, 1]} : vector<512x8192xf32> to vector<512x128xf32>
    %gt3A_163 = arith.cmpf ogt, %slice3A_162, %select_n3A_157 : vector<512x128xf32>
    %select_n3A_164 = arith.select %gt3A_163, %slice3A_162, %select_n3A_157 : vector<512x128xi1>, vector<512x128xf32>
    %add3A_165 = arith.constant 2.816000e+03 : f32
    %add3A_166 = vector.broadcast %add3A_165 : f32 to vector<512x128xf32>
    %add3A_167 = arith.addf %convert_element_type3A, %add3A_166 : vector<512x128xf32>
    %select_n3A_168 = arith.select %gt3A_163, %add3A_167, %select_n3A_161 : vector<512x128xi1>, vector<512x128xf32>
    %slice3A_169 = vector.extract_strided_slice %dot_general3A_16 {offsets = [0, 2944], sizes = [512, 128], strides = [1, 1]} : vector<512x8192xf32> to vector<512x128xf32>
    %gt3A_170 = arith.cmpf ogt, %slice3A_169, %select_n3A_164 : vector<512x128xf32>
    %select_n3A_171 = arith.select %gt3A_170, %slice3A_169, %select_n3A_164 : vector<512x128xi1>, vector<512x128xf32>
    %add3A_172 = arith.constant 2.944000e+03 : f32
    %add3A_173 = vector.broadcast %add3A_172 : f32 to vector<512x128xf32>
    %add3A_174 = arith.addf %convert_element_type3A, %add3A_173 : vector<512x128xf32>
    %select_n3A_175 = arith.select %gt3A_170, %add3A_174, %select_n3A_168 : vector<512x128xi1>, vector<512x128xf32>
    %slice3A_176 = vector.extract_strided_slice %dot_general3A_16 {offsets = [0, 3072], sizes = [512, 128], strides = [1, 1]} : vector<512x8192xf32> to vector<512x128xf32>
    %gt3A_177 = arith.cmpf ogt, %slice3A_176, %select_n3A_171 : vector<512x128xf32>
    %select_n3A_178 = arith.select %gt3A_177, %slice3A_176, %select_n3A_171 : vector<512x128xi1>, vector<512x128xf32>
    %add3A_179 = arith.constant 3.072000e+03 : f32
    %add3A_180 = vector.broadcast %add3A_179 : f32 to vector<512x128xf32>
    %add3A_181 = arith.addf %convert_element_type3A, %add3A_180 : vector<512x128xf32>
    %select_n3A_182 = arith.select %gt3A_177, %add3A_181, %select_n3A_175 : vector<512x128xi1>, vector<512x128xf32>
    %slice3A_183 = vector.extract_strided_slice %dot_general3A_16 {offsets = [0, 3200], sizes = [512, 128], strides = [1, 1]} : vector<512x8192xf32> to vector<512x128xf32>
    %gt3A_184 = arith.cmpf ogt, %slice3A_183, %select_n3A_178 : vector<512x128xf32>
    %select_n3A_185 = arith.select %gt3A_184, %slice3A_183, %select_n3A_178 : vector<512x128xi1>, vector<512x128xf32>
    %add3A_186 = arith.constant 3.200000e+03 : f32
    %add3A_187 = vector.broadcast %add3A_186 : f32 to vector<512x128xf32>
    %add3A_188 = arith.addf %convert_element_type3A, %add3A_187 : vector<512x128xf32>
    %select_n3A_189 = arith.select %gt3A_184, %add3A_188, %select_n3A_182 : vector<512x128xi1>, vector<512x128xf32>
    %slice3A_190 = vector.extract_strided_slice %dot_general3A_16 {offsets = [0, 3328], sizes = [512, 128], strides = [1, 1]} : vector<512x8192xf32> to vector<512x128xf32>
    %gt3A_191 = arith.cmpf ogt, %slice3A_190, %select_n3A_185 : vector<512x128xf32>
    %select_n3A_192 = arith.select %gt3A_191, %slice3A_190, %select_n3A_185 : vector<512x128xi1>, vector<512x128xf32>
    %add3A_193 = arith.constant 3.328000e+03 : f32
    %add3A_194 = vector.broadcast %add3A_193 : f32 to vector<512x128xf32>
    %add3A_195 = arith.addf %convert_element_type3A, %add3A_194 : vector<512x128xf32>
    %select_n3A_196 = arith.select %gt3A_191, %add3A_195, %select_n3A_189 : vector<512x128xi1>, vector<512x128xf32>
    %slice3A_197 = vector.extract_strided_slice %dot_general3A_16 {offsets = [0, 3456], sizes = [512, 128], strides = [1, 1]} : vector<512x8192xf32> to vector<512x128xf32>
    %gt3A_198 = arith.cmpf ogt, %slice3A_197, %select_n3A_192 : vector<512x128xf32>
    %select_n3A_199 = arith.select %gt3A_198, %slice3A_197, %select_n3A_192 : vector<512x128xi1>, vector<512x128xf32>
    %add3A_200 = arith.constant 3.456000e+03 : f32
    %add3A_201 = vector.broadcast %add3A_200 : f32 to vector<512x128xf32>
    %add3A_202 = arith.addf %convert_element_type3A, %add3A_201 : vector<512x128xf32>
    %select_n3A_203 = arith.select %gt3A_198, %add3A_202, %select_n3A_196 : vector<512x128xi1>, vector<512x128xf32>
    %slice3A_204 = vector.extract_strided_slice %dot_general3A_16 {offsets = [0, 3584], sizes = [512, 128], strides = [1, 1]} : vector<512x8192xf32> to vector<512x128xf32>
    %gt3A_205 = arith.cmpf ogt, %slice3A_204, %select_n3A_199 : vector<512x128xf32>
    %select_n3A_206 = arith.select %gt3A_205, %slice3A_204, %select_n3A_199 : vector<512x128xi1>, vector<512x128xf32>
    %add3A_207 = arith.constant 3.584000e+03 : f32
    %add3A_208 = vector.broadcast %add3A_207 : f32 to vector<512x128xf32>
    %add3A_209 = arith.addf %convert_element_type3A, %add3A_208 : vector<512x128xf32>
    %select_n3A_210 = arith.select %gt3A_205, %add3A_209, %select_n3A_203 : vector<512x128xi1>, vector<512x128xf32>
    %slice3A_211 = vector.extract_strided_slice %dot_general3A_16 {offsets = [0, 3712], sizes = [512, 128], strides = [1, 1]} : vector<512x8192xf32> to vector<512x128xf32>
    %gt3A_212 = arith.cmpf ogt, %slice3A_211, %select_n3A_206 : vector<512x128xf32>
    %select_n3A_213 = arith.select %gt3A_212, %slice3A_211, %select_n3A_206 : vector<512x128xi1>, vector<512x128xf32>
    %add3A_214 = arith.constant 3.712000e+03 : f32
    %add3A_215 = vector.broadcast %add3A_214 : f32 to vector<512x128xf32>
    %add3A_216 = arith.addf %convert_element_type3A, %add3A_215 : vector<512x128xf32>
    %select_n3A_217 = arith.select %gt3A_212, %add3A_216, %select_n3A_210 : vector<512x128xi1>, vector<512x128xf32>
    %slice3A_218 = vector.extract_strided_slice %dot_general3A_16 {offsets = [0, 3840], sizes = [512, 128], strides = [1, 1]} : vector<512x8192xf32> to vector<512x128xf32>
    %gt3A_219 = arith.cmpf ogt, %slice3A_218, %select_n3A_213 : vector<512x128xf32>
    %select_n3A_220 = arith.select %gt3A_219, %slice3A_218, %select_n3A_213 : vector<512x128xi1>, vector<512x128xf32>
    %add3A_221 = arith.constant 3.840000e+03 : f32
    %add3A_222 = vector.broadcast %add3A_221 : f32 to vector<512x128xf32>
    %add3A_223 = arith.addf %convert_element_type3A, %add3A_222 : vector<512x128xf32>
    %select_n3A_224 = arith.select %gt3A_219, %add3A_223, %select_n3A_217 : vector<512x128xi1>, vector<512x128xf32>
    %slice3A_225 = vector.extract_strided_slice %dot_general3A_16 {offsets = [0, 3968], sizes = [512, 128], strides = [1, 1]} : vector<512x8192xf32> to vector<512x128xf32>
    %gt3A_226 = arith.cmpf ogt, %slice3A_225, %select_n3A_220 : vector<512x128xf32>
    %select_n3A_227 = arith.select %gt3A_226, %slice3A_225, %select_n3A_220 : vector<512x128xi1>, vector<512x128xf32>
    %add3A_228 = arith.constant 3.968000e+03 : f32
    %add3A_229 = vector.broadcast %add3A_228 : f32 to vector<512x128xf32>
    %add3A_230 = arith.addf %convert_element_type3A, %add3A_229 : vector<512x128xf32>
    %select_n3A_231 = arith.select %gt3A_226, %add3A_230, %select_n3A_224 : vector<512x128xi1>, vector<512x128xf32>
    %slice3A_232 = vector.extract_strided_slice %dot_general3A_16 {offsets = [0, 4096], sizes = [512, 128], strides = [1, 1]} : vector<512x8192xf32> to vector<512x128xf32>
    %gt3A_233 = arith.cmpf ogt, %slice3A_232, %select_n3A_227 : vector<512x128xf32>
    %select_n3A_234 = arith.select %gt3A_233, %slice3A_232, %select_n3A_227 : vector<512x128xi1>, vector<512x128xf32>
    %add3A_235 = arith.constant 4.096000e+03 : f32
    %add3A_236 = vector.broadcast %add3A_235 : f32 to vector<512x128xf32>
    %add3A_237 = arith.addf %convert_element_type3A, %add3A_236 : vector<512x128xf32>
    %select_n3A_238 = arith.select %gt3A_233, %add3A_237, %select_n3A_231 : vector<512x128xi1>, vector<512x128xf32>
    %slice3A_239 = vector.extract_strided_slice %dot_general3A_16 {offsets = [0, 4224], sizes = [512, 128], strides = [1, 1]} : vector<512x8192xf32> to vector<512x128xf32>
    %gt3A_240 = arith.cmpf ogt, %slice3A_239, %select_n3A_234 : vector<512x128xf32>
    %select_n3A_241 = arith.select %gt3A_240, %slice3A_239, %select_n3A_234 : vector<512x128xi1>, vector<512x128xf32>
    %add3A_242 = arith.constant 4.224000e+03 : f32
    %add3A_243 = vector.broadcast %add3A_242 : f32 to vector<512x128xf32>
    %add3A_244 = arith.addf %convert_element_type3A, %add3A_243 : vector<512x128xf32>
    %select_n3A_245 = arith.select %gt3A_240, %add3A_244, %select_n3A_238 : vector<512x128xi1>, vector<512x128xf32>
    %slice3A_246 = vector.extract_strided_slice %dot_general3A_16 {offsets = [0, 4352], sizes = [512, 128], strides = [1, 1]} : vector<512x8192xf32> to vector<512x128xf32>
    %gt3A_247 = arith.cmpf ogt, %slice3A_246, %select_n3A_241 : vector<512x128xf32>
    %select_n3A_248 = arith.select %gt3A_247, %slice3A_246, %select_n3A_241 : vector<512x128xi1>, vector<512x128xf32>
    %add3A_249 = arith.constant 4.352000e+03 : f32
    %add3A_250 = vector.broadcast %add3A_249 : f32 to vector<512x128xf32>
    %add3A_251 = arith.addf %convert_element_type3A, %add3A_250 : vector<512x128xf32>
    %select_n3A_252 = arith.select %gt3A_247, %add3A_251, %select_n3A_245 : vector<512x128xi1>, vector<512x128xf32>
    %slice3A_253 = vector.extract_strided_slice %dot_general3A_16 {offsets = [0, 4480], sizes = [512, 128], strides = [1, 1]} : vector<512x8192xf32> to vector<512x128xf32>
    %gt3A_254 = arith.cmpf ogt, %slice3A_253, %select_n3A_248 : vector<512x128xf32>
    %select_n3A_255 = arith.select %gt3A_254, %slice3A_253, %select_n3A_248 : vector<512x128xi1>, vector<512x128xf32>
    %add3A_256 = arith.constant 4.480000e+03 : f32
    %add3A_257 = vector.broadcast %add3A_256 : f32 to vector<512x128xf32>
    %add3A_258 = arith.addf %convert_element_type3A, %add3A_257 : vector<512x128xf32>
    %select_n3A_259 = arith.select %gt3A_254, %add3A_258, %select_n3A_252 : vector<512x128xi1>, vector<512x128xf32>
    %slice3A_260 = vector.extract_strided_slice %dot_general3A_16 {offsets = [0, 4608], sizes = [512, 128], strides = [1, 1]} : vector<512x8192xf32> to vector<512x128xf32>
    %gt3A_261 = arith.cmpf ogt, %slice3A_260, %select_n3A_255 : vector<512x128xf32>
    %select_n3A_262 = arith.select %gt3A_261, %slice3A_260, %select_n3A_255 : vector<512x128xi1>, vector<512x128xf32>
    %add3A_263 = arith.constant 4.608000e+03 : f32
    %add3A_264 = vector.broadcast %add3A_263 : f32 to vector<512x128xf32>
    %add3A_265 = arith.addf %convert_element_type3A, %add3A_264 : vector<512x128xf32>
    %select_n3A_266 = arith.select %gt3A_261, %add3A_265, %select_n3A_259 : vector<512x128xi1>, vector<512x128xf32>
    %slice3A_267 = vector.extract_strided_slice %dot_general3A_16 {offsets = [0, 4736], sizes = [512, 128], strides = [1, 1]} : vector<512x8192xf32> to vector<512x128xf32>
    %gt3A_268 = arith.cmpf ogt, %slice3A_267, %select_n3A_262 : vector<512x128xf32>
    %select_n3A_269 = arith.select %gt3A_268, %slice3A_267, %select_n3A_262 : vector<512x128xi1>, vector<512x128xf32>
    %add3A_270 = arith.constant 4.736000e+03 : f32
    %add3A_271 = vector.broadcast %add3A_270 : f32 to vector<512x128xf32>
    %add3A_272 = arith.addf %convert_element_type3A, %add3A_271 : vector<512x128xf32>
    %select_n3A_273 = arith.select %gt3A_268, %add3A_272, %select_n3A_266 : vector<512x128xi1>, vector<512x128xf32>
    %slice3A_274 = vector.extract_strided_slice %dot_general3A_16 {offsets = [0, 4864], sizes = [512, 128], strides = [1, 1]} : vector<512x8192xf32> to vector<512x128xf32>
    %gt3A_275 = arith.cmpf ogt, %slice3A_274, %select_n3A_269 : vector<512x128xf32>
    %select_n3A_276 = arith.select %gt3A_275, %slice3A_274, %select_n3A_269 : vector<512x128xi1>, vector<512x128xf32>
    %add3A_277 = arith.constant 4.864000e+03 : f32
    %add3A_278 = vector.broadcast %add3A_277 : f32 to vector<512x128xf32>
    %add3A_279 = arith.addf %convert_element_type3A, %add3A_278 : vector<512x128xf32>
    %select_n3A_280 = arith.select %gt3A_275, %add3A_279, %select_n3A_273 : vector<512x128xi1>, vector<512x128xf32>
    %slice3A_281 = vector.extract_strided_slice %dot_general3A_16 {offsets = [0, 4992], sizes = [512, 128], strides = [1, 1]} : vector<512x8192xf32> to vector<512x128xf32>
    %gt3A_282 = arith.cmpf ogt, %slice3A_281, %select_n3A_276 : vector<512x128xf32>
    %select_n3A_283 = arith.select %gt3A_282, %slice3A_281, %select_n3A_276 : vector<512x128xi1>, vector<512x128xf32>
    %add3A_284 = arith.constant 4.992000e+03 : f32
    %add3A_285 = vector.broadcast %add3A_284 : f32 to vector<512x128xf32>
    %add3A_286 = arith.addf %convert_element_type3A, %add3A_285 : vector<512x128xf32>
    %select_n3A_287 = arith.select %gt3A_282, %add3A_286, %select_n3A_280 : vector<512x128xi1>, vector<512x128xf32>
    %slice3A_288 = vector.extract_strided_slice %dot_general3A_16 {offsets = [0, 5120], sizes = [512, 128], strides = [1, 1]} : vector<512x8192xf32> to vector<512x128xf32>
    %gt3A_289 = arith.cmpf ogt, %slice3A_288, %select_n3A_283 : vector<512x128xf32>
    %select_n3A_290 = arith.select %gt3A_289, %slice3A_288, %select_n3A_283 : vector<512x128xi1>, vector<512x128xf32>
    %add3A_291 = arith.constant 5.120000e+03 : f32
    %add3A_292 = vector.broadcast %add3A_291 : f32 to vector<512x128xf32>
    %add3A_293 = arith.addf %convert_element_type3A, %add3A_292 : vector<512x128xf32>
    %select_n3A_294 = arith.select %gt3A_289, %add3A_293, %select_n3A_287 : vector<512x128xi1>, vector<512x128xf32>
    %slice3A_295 = vector.extract_strided_slice %dot_general3A_16 {offsets = [0, 5248], sizes = [512, 128], strides = [1, 1]} : vector<512x8192xf32> to vector<512x128xf32>
    %gt3A_296 = arith.cmpf ogt, %slice3A_295, %select_n3A_290 : vector<512x128xf32>
    %select_n3A_297 = arith.select %gt3A_296, %slice3A_295, %select_n3A_290 : vector<512x128xi1>, vector<512x128xf32>
    %add3A_298 = arith.constant 5.248000e+03 : f32
    %add3A_299 = vector.broadcast %add3A_298 : f32 to vector<512x128xf32>
    %add3A_300 = arith.addf %convert_element_type3A, %add3A_299 : vector<512x128xf32>
    %select_n3A_301 = arith.select %gt3A_296, %add3A_300, %select_n3A_294 : vector<512x128xi1>, vector<512x128xf32>
    %slice3A_302 = vector.extract_strided_slice %dot_general3A_16 {offsets = [0, 5376], sizes = [512, 128], strides = [1, 1]} : vector<512x8192xf32> to vector<512x128xf32>
    %gt3A_303 = arith.cmpf ogt, %slice3A_302, %select_n3A_297 : vector<512x128xf32>
    %select_n3A_304 = arith.select %gt3A_303, %slice3A_302, %select_n3A_297 : vector<512x128xi1>, vector<512x128xf32>
    %add3A_305 = arith.constant 5.376000e+03 : f32
    %add3A_306 = vector.broadcast %add3A_305 : f32 to vector<512x128xf32>
    %add3A_307 = arith.addf %convert_element_type3A, %add3A_306 : vector<512x128xf32>
    %select_n3A_308 = arith.select %gt3A_303, %add3A_307, %select_n3A_301 : vector<512x128xi1>, vector<512x128xf32>
    %slice3A_309 = vector.extract_strided_slice %dot_general3A_16 {offsets = [0, 5504], sizes = [512, 128], strides = [1, 1]} : vector<512x8192xf32> to vector<512x128xf32>
    %gt3A_310 = arith.cmpf ogt, %slice3A_309, %select_n3A_304 : vector<512x128xf32>
    %select_n3A_311 = arith.select %gt3A_310, %slice3A_309, %select_n3A_304 : vector<512x128xi1>, vector<512x128xf32>
    %add3A_312 = arith.constant 5.504000e+03 : f32
    %add3A_313 = vector.broadcast %add3A_312 : f32 to vector<512x128xf32>
    %add3A_314 = arith.addf %convert_element_type3A, %add3A_313 : vector<512x128xf32>
    %select_n3A_315 = arith.select %gt3A_310, %add3A_314, %select_n3A_308 : vector<512x128xi1>, vector<512x128xf32>
    %slice3A_316 = vector.extract_strided_slice %dot_general3A_16 {offsets = [0, 5632], sizes = [512, 128], strides = [1, 1]} : vector<512x8192xf32> to vector<512x128xf32>
    %gt3A_317 = arith.cmpf ogt, %slice3A_316, %select_n3A_311 : vector<512x128xf32>
    %select_n3A_318 = arith.select %gt3A_317, %slice3A_316, %select_n3A_311 : vector<512x128xi1>, vector<512x128xf32>
    %add3A_319 = arith.constant 5.632000e+03 : f32
    %add3A_320 = vector.broadcast %add3A_319 : f32 to vector<512x128xf32>
    %add3A_321 = arith.addf %convert_element_type3A, %add3A_320 : vector<512x128xf32>
    %select_n3A_322 = arith.select %gt3A_317, %add3A_321, %select_n3A_315 : vector<512x128xi1>, vector<512x128xf32>
    %slice3A_323 = vector.extract_strided_slice %dot_general3A_16 {offsets = [0, 5760], sizes = [512, 128], strides = [1, 1]} : vector<512x8192xf32> to vector<512x128xf32>
    %gt3A_324 = arith.cmpf ogt, %slice3A_323, %select_n3A_318 : vector<512x128xf32>
    %select_n3A_325 = arith.select %gt3A_324, %slice3A_323, %select_n3A_318 : vector<512x128xi1>, vector<512x128xf32>
    %add3A_326 = arith.constant 5.760000e+03 : f32
    %add3A_327 = vector.broadcast %add3A_326 : f32 to vector<512x128xf32>
    %add3A_328 = arith.addf %convert_element_type3A, %add3A_327 : vector<512x128xf32>
    %select_n3A_329 = arith.select %gt3A_324, %add3A_328, %select_n3A_322 : vector<512x128xi1>, vector<512x128xf32>
    %slice3A_330 = vector.extract_strided_slice %dot_general3A_16 {offsets = [0, 5888], sizes = [512, 128], strides = [1, 1]} : vector<512x8192xf32> to vector<512x128xf32>
    %gt3A_331 = arith.cmpf ogt, %slice3A_330, %select_n3A_325 : vector<512x128xf32>
    %select_n3A_332 = arith.select %gt3A_331, %slice3A_330, %select_n3A_325 : vector<512x128xi1>, vector<512x128xf32>
    %add3A_333 = arith.constant 5.888000e+03 : f32
    %add3A_334 = vector.broadcast %add3A_333 : f32 to vector<512x128xf32>
    %add3A_335 = arith.addf %convert_element_type3A, %add3A_334 : vector<512x128xf32>
    %select_n3A_336 = arith.select %gt3A_331, %add3A_335, %select_n3A_329 : vector<512x128xi1>, vector<512x128xf32>
    %slice3A_337 = vector.extract_strided_slice %dot_general3A_16 {offsets = [0, 6016], sizes = [512, 128], strides = [1, 1]} : vector<512x8192xf32> to vector<512x128xf32>
    %gt3A_338 = arith.cmpf ogt, %slice3A_337, %select_n3A_332 : vector<512x128xf32>
    %select_n3A_339 = arith.select %gt3A_338, %slice3A_337, %select_n3A_332 : vector<512x128xi1>, vector<512x128xf32>
    %add3A_340 = arith.constant 6.016000e+03 : f32
    %add3A_341 = vector.broadcast %add3A_340 : f32 to vector<512x128xf32>
    %add3A_342 = arith.addf %convert_element_type3A, %add3A_341 : vector<512x128xf32>
    %select_n3A_343 = arith.select %gt3A_338, %add3A_342, %select_n3A_336 : vector<512x128xi1>, vector<512x128xf32>
    %slice3A_344 = vector.extract_strided_slice %dot_general3A_16 {offsets = [0, 6144], sizes = [512, 128], strides = [1, 1]} : vector<512x8192xf32> to vector<512x128xf32>
    %gt3A_345 = arith.cmpf ogt, %slice3A_344, %select_n3A_339 : vector<512x128xf32>
    %select_n3A_346 = arith.select %gt3A_345, %slice3A_344, %select_n3A_339 : vector<512x128xi1>, vector<512x128xf32>
    %add3A_347 = arith.constant 6.144000e+03 : f32
    %add3A_348 = vector.broadcast %add3A_347 : f32 to vector<512x128xf32>
    %add3A_349 = arith.addf %convert_element_type3A, %add3A_348 : vector<512x128xf32>
    %select_n3A_350 = arith.select %gt3A_345, %add3A_349, %select_n3A_343 : vector<512x128xi1>, vector<512x128xf32>
    %slice3A_351 = vector.extract_strided_slice %dot_general3A_16 {offsets = [0, 6272], sizes = [512, 128], strides = [1, 1]} : vector<512x8192xf32> to vector<512x128xf32>
    %gt3A_352 = arith.cmpf ogt, %slice3A_351, %select_n3A_346 : vector<512x128xf32>
    %select_n3A_353 = arith.select %gt3A_352, %slice3A_351, %select_n3A_346 : vector<512x128xi1>, vector<512x128xf32>
    %add3A_354 = arith.constant 6.272000e+03 : f32
    %add3A_355 = vector.broadcast %add3A_354 : f32 to vector<512x128xf32>
    %add3A_356 = arith.addf %convert_element_type3A, %add3A_355 : vector<512x128xf32>
    %select_n3A_357 = arith.select %gt3A_352, %add3A_356, %select_n3A_350 : vector<512x128xi1>, vector<512x128xf32>
    %slice3A_358 = vector.extract_strided_slice %dot_general3A_16 {offsets = [0, 6400], sizes = [512, 128], strides = [1, 1]} : vector<512x8192xf32> to vector<512x128xf32>
    %gt3A_359 = arith.cmpf ogt, %slice3A_358, %select_n3A_353 : vector<512x128xf32>
    %select_n3A_360 = arith.select %gt3A_359, %slice3A_358, %select_n3A_353 : vector<512x128xi1>, vector<512x128xf32>
    %add3A_361 = arith.constant 6.400000e+03 : f32
    %add3A_362 = vector.broadcast %add3A_361 : f32 to vector<512x128xf32>
    %add3A_363 = arith.addf %convert_element_type3A, %add3A_362 : vector<512x128xf32>
    %select_n3A_364 = arith.select %gt3A_359, %add3A_363, %select_n3A_357 : vector<512x128xi1>, vector<512x128xf32>
    %slice3A_365 = vector.extract_strided_slice %dot_general3A_16 {offsets = [0, 6528], sizes = [512, 128], strides = [1, 1]} : vector<512x8192xf32> to vector<512x128xf32>
    %gt3A_366 = arith.cmpf ogt, %slice3A_365, %select_n3A_360 : vector<512x128xf32>
    %select_n3A_367 = arith.select %gt3A_366, %slice3A_365, %select_n3A_360 : vector<512x128xi1>, vector<512x128xf32>
    %add3A_368 = arith.constant 6.528000e+03 : f32
    %add3A_369 = vector.broadcast %add3A_368 : f32 to vector<512x128xf32>
    %add3A_370 = arith.addf %convert_element_type3A, %add3A_369 : vector<512x128xf32>
    %select_n3A_371 = arith.select %gt3A_366, %add3A_370, %select_n3A_364 : vector<512x128xi1>, vector<512x128xf32>
    %slice3A_372 = vector.extract_strided_slice %dot_general3A_16 {offsets = [0, 6656], sizes = [512, 128], strides = [1, 1]} : vector<512x8192xf32> to vector<512x128xf32>
    %gt3A_373 = arith.cmpf ogt, %slice3A_372, %select_n3A_367 : vector<512x128xf32>
    %select_n3A_374 = arith.select %gt3A_373, %slice3A_372, %select_n3A_367 : vector<512x128xi1>, vector<512x128xf32>
    %add3A_375 = arith.constant 6.656000e+03 : f32
    %add3A_376 = vector.broadcast %add3A_375 : f32 to vector<512x128xf32>
    %add3A_377 = arith.addf %convert_element_type3A, %add3A_376 : vector<512x128xf32>
    %select_n3A_378 = arith.select %gt3A_373, %add3A_377, %select_n3A_371 : vector<512x128xi1>, vector<512x128xf32>
    %slice3A_379 = vector.extract_strided_slice %dot_general3A_16 {offsets = [0, 6784], sizes = [512, 128], strides = [1, 1]} : vector<512x8192xf32> to vector<512x128xf32>
    %gt3A_380 = arith.cmpf ogt, %slice3A_379, %select_n3A_374 : vector<512x128xf32>
    %select_n3A_381 = arith.select %gt3A_380, %slice3A_379, %select_n3A_374 : vector<512x128xi1>, vector<512x128xf32>
    %add3A_382 = arith.constant 6.784000e+03 : f32
    %add3A_383 = vector.broadcast %add3A_382 : f32 to vector<512x128xf32>
    %add3A_384 = arith.addf %convert_element_type3A, %add3A_383 : vector<512x128xf32>
    %select_n3A_385 = arith.select %gt3A_380, %add3A_384, %select_n3A_378 : vector<512x128xi1>, vector<512x128xf32>
    %slice3A_386 = vector.extract_strided_slice %dot_general3A_16 {offsets = [0, 6912], sizes = [512, 128], strides = [1, 1]} : vector<512x8192xf32> to vector<512x128xf32>
    %gt3A_387 = arith.cmpf ogt, %slice3A_386, %select_n3A_381 : vector<512x128xf32>
    %select_n3A_388 = arith.select %gt3A_387, %slice3A_386, %select_n3A_381 : vector<512x128xi1>, vector<512x128xf32>
    %add3A_389 = arith.constant 6.912000e+03 : f32
    %add3A_390 = vector.broadcast %add3A_389 : f32 to vector<512x128xf32>
    %add3A_391 = arith.addf %convert_element_type3A, %add3A_390 : vector<512x128xf32>
    %select_n3A_392 = arith.select %gt3A_387, %add3A_391, %select_n3A_385 : vector<512x128xi1>, vector<512x128xf32>
    %slice3A_393 = vector.extract_strided_slice %dot_general3A_16 {offsets = [0, 7040], sizes = [512, 128], strides = [1, 1]} : vector<512x8192xf32> to vector<512x128xf32>
    %gt3A_394 = arith.cmpf ogt, %slice3A_393, %select_n3A_388 : vector<512x128xf32>
    %select_n3A_395 = arith.select %gt3A_394, %slice3A_393, %select_n3A_388 : vector<512x128xi1>, vector<512x128xf32>
    %add3A_396 = arith.constant 7.040000e+03 : f32
    %add3A_397 = vector.broadcast %add3A_396 : f32 to vector<512x128xf32>
    %add3A_398 = arith.addf %convert_element_type3A, %add3A_397 : vector<512x128xf32>
    %select_n3A_399 = arith.select %gt3A_394, %add3A_398, %select_n3A_392 : vector<512x128xi1>, vector<512x128xf32>
    %slice3A_400 = vector.extract_strided_slice %dot_general3A_16 {offsets = [0, 7168], sizes = [512, 128], strides = [1, 1]} : vector<512x8192xf32> to vector<512x128xf32>
    %gt3A_401 = arith.cmpf ogt, %slice3A_400, %select_n3A_395 : vector<512x128xf32>
    %select_n3A_402 = arith.select %gt3A_401, %slice3A_400, %select_n3A_395 : vector<512x128xi1>, vector<512x128xf32>
    %add3A_403 = arith.constant 7.168000e+03 : f32
    %add3A_404 = vector.broadcast %add3A_403 : f32 to vector<512x128xf32>
    %add3A_405 = arith.addf %convert_element_type3A, %add3A_404 : vector<512x128xf32>
    %select_n3A_406 = arith.select %gt3A_401, %add3A_405, %select_n3A_399 : vector<512x128xi1>, vector<512x128xf32>
    %slice3A_407 = vector.extract_strided_slice %dot_general3A_16 {offsets = [0, 7296], sizes = [512, 128], strides = [1, 1]} : vector<512x8192xf32> to vector<512x128xf32>
    %gt3A_408 = arith.cmpf ogt, %slice3A_407, %select_n3A_402 : vector<512x128xf32>
    %select_n3A_409 = arith.select %gt3A_408, %slice3A_407, %select_n3A_402 : vector<512x128xi1>, vector<512x128xf32>
    %add3A_410 = arith.constant 7.296000e+03 : f32
    %add3A_411 = vector.broadcast %add3A_410 : f32 to vector<512x128xf32>
    %add3A_412 = arith.addf %convert_element_type3A, %add3A_411 : vector<512x128xf32>
    %select_n3A_413 = arith.select %gt3A_408, %add3A_412, %select_n3A_406 : vector<512x128xi1>, vector<512x128xf32>
    %slice3A_414 = vector.extract_strided_slice %dot_general3A_16 {offsets = [0, 7424], sizes = [512, 128], strides = [1, 1]} : vector<512x8192xf32> to vector<512x128xf32>
    %gt3A_415 = arith.cmpf ogt, %slice3A_414, %select_n3A_409 : vector<512x128xf32>
    %select_n3A_416 = arith.select %gt3A_415, %slice3A_414, %select_n3A_409 : vector<512x128xi1>, vector<512x128xf32>
    %add3A_417 = arith.constant 7.424000e+03 : f32
    %add3A_418 = vector.broadcast %add3A_417 : f32 to vector<512x128xf32>
    %add3A_419 = arith.addf %convert_element_type3A, %add3A_418 : vector<512x128xf32>
    %select_n3A_420 = arith.select %gt3A_415, %add3A_419, %select_n3A_413 : vector<512x128xi1>, vector<512x128xf32>
    %slice3A_421 = vector.extract_strided_slice %dot_general3A_16 {offsets = [0, 7552], sizes = [512, 128], strides = [1, 1]} : vector<512x8192xf32> to vector<512x128xf32>
    %gt3A_422 = arith.cmpf ogt, %slice3A_421, %select_n3A_416 : vector<512x128xf32>
    %select_n3A_423 = arith.select %gt3A_422, %slice3A_421, %select_n3A_416 : vector<512x128xi1>, vector<512x128xf32>
    %add3A_424 = arith.constant 7.552000e+03 : f32
    %add3A_425 = vector.broadcast %add3A_424 : f32 to vector<512x128xf32>
    %add3A_426 = arith.addf %convert_element_type3A, %add3A_425 : vector<512x128xf32>
    %select_n3A_427 = arith.select %gt3A_422, %add3A_426, %select_n3A_420 : vector<512x128xi1>, vector<512x128xf32>
    %slice3A_428 = vector.extract_strided_slice %dot_general3A_16 {offsets = [0, 7680], sizes = [512, 128], strides = [1, 1]} : vector<512x8192xf32> to vector<512x128xf32>
    %gt3A_429 = arith.cmpf ogt, %slice3A_428, %select_n3A_423 : vector<512x128xf32>
    %select_n3A_430 = arith.select %gt3A_429, %slice3A_428, %select_n3A_423 : vector<512x128xi1>, vector<512x128xf32>
    %add3A_431 = arith.constant 7.680000e+03 : f32
    %add3A_432 = vector.broadcast %add3A_431 : f32 to vector<512x128xf32>
    %add3A_433 = arith.addf %convert_element_type3A, %add3A_432 : vector<512x128xf32>
    %select_n3A_434 = arith.select %gt3A_429, %add3A_433, %select_n3A_427 : vector<512x128xi1>, vector<512x128xf32>
    %slice3A_435 = vector.extract_strided_slice %dot_general3A_16 {offsets = [0, 7808], sizes = [512, 128], strides = [1, 1]} : vector<512x8192xf32> to vector<512x128xf32>
    %gt3A_436 = arith.cmpf ogt, %slice3A_435, %select_n3A_430 : vector<512x128xf32>
    %select_n3A_437 = arith.select %gt3A_436, %slice3A_435, %select_n3A_430 : vector<512x128xi1>, vector<512x128xf32>
    %add3A_438 = arith.constant 7.808000e+03 : f32
    %add3A_439 = vector.broadcast %add3A_438 : f32 to vector<512x128xf32>
    %add3A_440 = arith.addf %convert_element_type3A, %add3A_439 : vector<512x128xf32>
    %select_n3A_441 = arith.select %gt3A_436, %add3A_440, %select_n3A_434 : vector<512x128xi1>, vector<512x128xf32>
    %slice3A_442 = vector.extract_strided_slice %dot_general3A_16 {offsets = [0, 7936], sizes = [512, 128], strides = [1, 1]} : vector<512x8192xf32> to vector<512x128xf32>
    %gt3A_443 = arith.cmpf ogt, %slice3A_442, %select_n3A_437 : vector<512x128xf32>
    %select_n3A_444 = arith.select %gt3A_443, %slice3A_442, %select_n3A_437 : vector<512x128xi1>, vector<512x128xf32>
    %add3A_445 = arith.constant 7.936000e+03 : f32
    %add3A_446 = vector.broadcast %add3A_445 : f32 to vector<512x128xf32>
    %add3A_447 = arith.addf %convert_element_type3A, %add3A_446 : vector<512x128xf32>
    %select_n3A_448 = arith.select %gt3A_443, %add3A_447, %select_n3A_441 : vector<512x128xi1>, vector<512x128xf32>
    %slice3A_449 = vector.extract_strided_slice %dot_general3A_16 {offsets = [0, 8064], sizes = [512, 128], strides = [1, 1]} : vector<512x8192xf32> to vector<512x128xf32>
    %gt3A_450 = arith.cmpf ogt, %slice3A_449, %select_n3A_444 : vector<512x128xf32>
    %select_n3A_451 = arith.select %gt3A_450, %slice3A_449, %select_n3A_444 : vector<512x128xi1>, vector<512x128xf32>
    %add3A_452 = arith.constant 8.064000e+03 : f32
    %add3A_453 = vector.broadcast %add3A_452 : f32 to vector<512x128xf32>
    %add3A_454 = arith.addf %convert_element_type3A, %add3A_453 : vector<512x128xf32>
    %select_n3A_455 = arith.select %gt3A_450, %add3A_454, %select_n3A_448 : vector<512x128xi1>, vector<512x128xf32>
    %reduce_max3A = arith.constant dense<0xFF800000> : vector<512xf32>
    %reduce_max3A_456 = vector.multi_reduction <maximumf>, %select_n3A_451, %reduce_max3A [1] : vector<512x128xf32> to vector<512xf32>
    %broadcast_in_dim3A = vector.shape_cast %reduce_max3A_456 : vector<512xf32> to vector<512x1xf32>
    %eq3A = vector.broadcast %broadcast_in_dim3A : vector<512x1xf32> to vector<512x128xf32>
    %eq3A_457 = arith.cmpf oeq, %select_n3A_451, %eq3A : vector<512x128xf32>
    %jit3A = arith.constant 8.192000e+03 : f32
    %broadcast_in_dim3A_458 = vector.broadcast %jit3A : f32 to vector<512x128xf32>
    %select_n3A_459 = arith.select %eq3A_457, %select_n3A_455, %broadcast_in_dim3A_458 : vector<512x128xi1>, vector<512x128xf32>
    %reduce_min3A = arith.constant dense<0x7F800000> : vector<512xf32>
    %reduce_min3A_460 = vector.multi_reduction <minimumf>, %select_n3A_459, %reduce_min3A [1] : vector<512x128xf32> to vector<512xf32>
    %convert_element_type3A_461 = arith.fptosi %reduce_min3A_460 : vector<512xf32> to vector<512xi32>
    %swap3A_462 = arith.constant 0 : index
    %swap3A_463 = vector.load %arg6[%swap3A_462] : memref<512xi32, #tpu.memory_space<vmem>>, vector<512xi32>
    tpu.vector_store %arg6[%swap3A_462], %convert_element_type3A_461 {strides = array<i32>} : memref<512xi32, #tpu.memory_space<vmem>>, vector<512xi32>,
    return
  }
  func.func @transform_0(%arg0: i32) -> (i32, i32) {
    %c0_i32 = arith.constant 0 : i32
    %c0_i32_0 = arith.constant 0 : i32
    return %arg0, %c0_i32 : i32, i32
  }
  func.func @transform_1(%arg0: i32) -> (i32, i32) {
    %c0_i32 = arith.constant 0 : i32
    %c0_i32_0 = arith.constant 0 : i32
    %c0_i32_1 = arith.constant 0 : i32
    return %c0_i32, %c0_i32_0 : i32, i32
  }
  func.func @transform_2(%arg0: i32) -> (i32, i32) {
    %c0_i32 = arith.constant 0 : i32
    %c0_i32_0 = arith.constant 0 : i32
    %c0_i32_1 = arith.constant 0 : i32
    return %c0_i32, %c0_i32_0 : i32, i32
  }
  func.func @transform_3(%arg0: i32) -> (i32, i32) {
    %c0_i32 = arith.constant 0 : i32
    %c0_i32_0 = arith.constant 0 : i32
    %c0_i32_1 = arith.constant 0 : i32
    return %c0_i32, %c0_i32_0 : i32, i32
  }
  func.func @transform_4(%arg0: i32) -> (i32, i32) {
    %c0_i32 = arith.constant 0 : i32
    %c0_i32_0 = arith.constant 0 : i32
    return %arg0, %c0_i32 : i32, i32
  }
  func.func @transform_5(%arg0: i32) -> i32 {
    %c0_i32 = arith.constant 0 : i32
    return %arg0 : i32
  }
}

module attributes {stable_mosaic.version = 14 : i64} {
  func.func @_tc2_body(%arg0: i32, %arg1: memref<4096x32xf32, #tpu.memory_space<vmem>>, %arg2: memref<4096x32xf32, #tpu.memory_space<vmem>>, %arg3: memref<32x768xf32, #tpu.memory_space<vmem>>, %arg4: memref<1x768xf32, #tpu.memory_space<vmem>>, %arg5: memref<4096x768xf32, #tpu.memory_space<vmem>>, %arg6: memref<1x1xf32, #tpu.memory_space<vmem>>) attributes {dimension_semantics = [#tpu.dimension_semantics<arbitrary>], iteration_bounds = array<i64: 2>, scalar_prefetch = 0 : i64, scratch_operands = 0 : i64, tpu.core_type = #tpu.core_type<tc>, window_params = [{transform_indices = @transform_0, window_bounds = array<i64: 4096, 32>}, {transform_indices = @transform_1, window_bounds = array<i64: 4096, 32>}, {pipeline_mode = #tpu.pipeline_mode<synchronous>, transform_indices = @transform_2, window_bounds = array<i64: 32, 768>}, {pipeline_mode = #tpu.pipeline_mode<synchronous>, transform_indices = @transform_3, window_bounds = array<i64: 1, 768>}, {transform_indices = @transform_4, window_bounds = array<i64: 4096, 768>}, {pipeline_mode = #tpu.pipeline_mode<synchronous>, transform_indices = @transform_5, window_bounds = array<i64: 1, 1>}]} {
    %get3A = arith.constant 0 : index
    %get3A_0 = arith.constant 0 : index
    %get3A_1 = vector.load %arg1[%get3A, %get3A_0] : memref<4096x32xf32, #tpu.memory_space<vmem>>, vector<4096x32xf32>
    %get3A_2 = arith.constant 0 : index
    %get3A_3 = arith.constant 0 : index
    %get3A_4 = vector.load %arg2[%get3A_2, %get3A_3] : memref<4096x32xf32, #tpu.memory_space<vmem>>, vector<4096x32xf32>
    %add3A = arith.addf %get3A_4, %get3A_1 : vector<4096x32xf32>
    %sub3A = arith.subf %add3A, %get3A_1 : vector<4096x32xf32>
    %get3A_5 = arith.constant 0 : index
    %get3A_6 = arith.constant 0 : index
    %get3A_7 = vector.load %arg3[%get3A_5, %get3A_6] : memref<32x768xf32, #tpu.memory_space<vmem>>, vector<32x768xf32>
    %dot_general3A = arith.constant dense<0.000000e+00> : vector<4096x768xf32>
    %dot_general3A_8 = tpu.matmul %sub3A, %get3A_7, %dot_general3A {dimension_numbers = #tpu.dot_dimension_numbers<[1], [0], [0], [1], [0, 0, 1, 1], [], []>, transpose_lhs_hint = false} : vector<4096x32xf32>, vector<32x768xf32>, vector<4096x768xf32> -> vector<4096x768xf32>
    %get3A_9 = arith.constant 0 : index
    %get3A_10 = arith.constant 0 : index
    %get3A_11 = vector.load %arg4[%get3A_9, %get3A_10] : memref<1x768xf32, #tpu.memory_space<vmem>>, vector<1x768xf32>
    %add3A_12 = vector.broadcast %get3A_11 : vector<1x768xf32> to vector<4096x768xf32>
    %add3A_13 = arith.addf %dot_general3A_8, %add3A_12 : vector<4096x768xf32>
    %swap3A = arith.constant 0 : index
    %swap3A_14 = arith.constant 0 : index
    %swap3A_15 = vector.load %arg5[%swap3A, %swap3A_14] : memref<4096x768xf32, #tpu.memory_space<vmem>>, vector<4096x768xf32>
    tpu.vector_store %arg5[%swap3A, %swap3A_14], %add3A_13 {strides = array<i32>} : memref<4096x768xf32, #tpu.memory_space<vmem>>, vector<4096x768xf32>,
    %mul3A = arith.mulf %get3A_4, %get3A_1 : vector<4096x32xf32>
    %reduce_sum3A = arith.constant dense<0.000000e+00> : vector<4096xf32>
    %reduce_sum3A_16 = vector.multi_reduction <add>, %mul3A, %reduce_sum3A [1] : vector<4096x32xf32> to vector<4096xf32>
    %mul3A_17 = arith.mulf %get3A_4, %get3A_4 : vector<4096x32xf32>
    %reduce_sum3A_18 = arith.constant dense<0.000000e+00> : vector<4096xf32>
    %reduce_sum3A_19 = vector.multi_reduction <add>, %mul3A_17, %reduce_sum3A_18 [1] : vector<4096x32xf32> to vector<4096xf32>
    %sqrt3A = math.sqrt %reduce_sum3A_19 : vector<4096xf32>
    %max3A = arith.constant 9.99999993E-9 : f32
    %max3A_20 = vector.broadcast %max3A : f32 to vector<4096xf32>
    %max3A_21 = arith.maximumf %sqrt3A, %max3A_20 : vector<4096xf32>
    %mul3A_22 = arith.mulf %get3A_1, %get3A_1 : vector<4096x32xf32>
    %reduce_sum3A_23 = arith.constant dense<0.000000e+00> : vector<4096xf32>
    %reduce_sum3A_24 = vector.multi_reduction <add>, %mul3A_22, %reduce_sum3A_23 [1] : vector<4096x32xf32> to vector<4096xf32>
    %sqrt3A_25 = math.sqrt %reduce_sum3A_24 : vector<4096xf32>
    %max3A_26 = arith.constant 9.99999993E-9 : f32
    %max3A_27 = vector.broadcast %max3A_26 : f32 to vector<4096xf32>
    %max3A_28 = arith.maximumf %sqrt3A_25, %max3A_27 : vector<4096xf32>
    %mul3A_29 = arith.mulf %max3A_21, %max3A_28 : vector<4096xf32>
    %div3A = arith.divf %reduce_sum3A_16, %mul3A_29 : vector<4096xf32>
    %reduce_sum3A_30 = vector.shape_cast %div3A : vector<4096xf32> to vector<1x4096xf32>
    %reduce_sum3A_31 = arith.constant dense<0.000000e+00> : vector<1xf32>
    %reduce_sum3A_32 = vector.multi_reduction <add>, %reduce_sum3A_30, %reduce_sum3A_31 [1] : vector<1x4096xf32> to vector<1xf32>
    %reduce_sum3A_33 = vector.shape_cast %reduce_sum3A_32 : vector<1xf32> to vector<1x1xf32>
    %reduce_sum3A_34 = vector.extract %reduce_sum3A_33[0, 0] : f32 from vector<1x1xf32>
    %reshape3A = vector.broadcast %reduce_sum3A_34 : f32 to vector<1x1xf32>
    %eq3A = arith.constant 0 : i32
    %eq3A_35 = arith.cmpi eq, %arg0, %eq3A : i32
    %broadcast_in_dim3A = arith.constant 0.000000e+00 : f32
    %broadcast_in_dim3A_36 = vector.broadcast %broadcast_in_dim3A : f32 to vector<1x1xf32>
    %get3A_37 = arith.constant 0 : index
    %get3A_38 = arith.constant 0 : index
    %get3A_39 = vector.load %arg6[%get3A_37, %get3A_38] : memref<1x1xf32, #tpu.memory_space<vmem>>, vector<1x1xf32>
    %select_n3A = arith.select %eq3A_35, %broadcast_in_dim3A_36, %get3A_39 : vector<1x1xf32>
    %add3A_40 = arith.addf %select_n3A, %reshape3A : vector<1x1xf32>
    %swap3A_41 = arith.constant 0 : index
    %swap3A_42 = arith.constant 0 : index
    %swap3A_43 = vector.load %arg6[%swap3A_41, %swap3A_42] : memref<1x1xf32, #tpu.memory_space<vmem>>, vector<1x1xf32>
    tpu.vector_store %arg6[%swap3A_41, %swap3A_42], %add3A_40 {strides = array<i32>} : memref<1x1xf32, #tpu.memory_space<vmem>>, vector<1x1xf32>,
    return
  }
  func.func @transform_0(%arg0: i32) -> (i32, i32) {
    %c0_i32 = arith.constant 0 : i32
    %c0_i32_0 = arith.constant 0 : i32
    return %arg0, %c0_i32 : i32, i32
  }
  func.func @transform_1(%arg0: i32) -> (i32, i32) {
    %c0_i32 = arith.constant 0 : i32
    %c0_i32_0 = arith.constant 0 : i32
    return %arg0, %c0_i32 : i32, i32
  }
  func.func @transform_2(%arg0: i32) -> (i32, i32) {
    %c0_i32 = arith.constant 0 : i32
    %c0_i32_0 = arith.constant 0 : i32
    %c0_i32_1 = arith.constant 0 : i32
    return %c0_i32, %c0_i32_0 : i32, i32
  }
  func.func @transform_3(%arg0: i32) -> (i32, i32) {
    %c0_i32 = arith.constant 0 : i32
    %c0_i32_0 = arith.constant 0 : i32
    %c0_i32_1 = arith.constant 0 : i32
    return %c0_i32, %c0_i32_0 : i32, i32
  }
  func.func @transform_4(%arg0: i32) -> (i32, i32) {
    %c0_i32 = arith.constant 0 : i32
    %c0_i32_0 = arith.constant 0 : i32
    return %arg0, %c0_i32 : i32, i32
  }
  func.func @transform_5(%arg0: i32) -> (i32, i32) {
    %c0_i32 = arith.constant 0 : i32
    %c0_i32_0 = arith.constant 0 : i32
    %c0_i32_1 = arith.constant 0 : i32
    return %c0_i32, %c0_i32_0 : i32, i32
  }
}

</mosaic_0001>

<sc_bundles>
// kernel: kernel.5.cloned.1.call-start
scs
__scs_entry_jumppad:
0x0: {  	(pc) =	sbr.rel $0x88, $3  }
0x1: {  	(tag) =	ssettag $0x0;
	lr =	simm.s32 $0x1  }
0x2: {  	[smem:$0x3F9B] =	sst lr;
	_ =	strace $0xD0000000  }
0x3: {  	_ = 	snop  }
0x4: {  	_ = 	snop  }
0x5: {  	_ = 	snop  }
0x6: {  	_ = 	snop  }
0x7: {  	_ = 	snop  }
__scs_overlays_trampoline_lowered:
0x8: {  	[smem:$0x3FAA] =	sst s0  }
0x9: {  	[smem:$0x3FAB] =	sst s1  }
0xa: {  	[smem:$0x3FAC] =	sst s2  }
0xb: {  	[smem:$0x3FAD] =	sst s3  }
0xc: {  	[smem:$0x3FAE] =	sst s4  }
0xd: {  	[smem:$0x3FAF] =	sst s5  }
0xe: {  	[smem:$0x3FB0] =	sst s6  }
0xf: {  	[smem:$0x3FB1] =	sst s7  }
0x10: {  	[smem:$0x3FB2] =	sst s8  }
0x11: {  	[smem:$0x3FB3] =	sst s9;
	s0 =	simm.s32 @!p0 $0x0  }
0x12: {  	s1 =	sld [smem:$0x3F99];
	s0 =	simm.s32 @p0 $0x1  }
0x13: {  	[smem:$0x3FB4] =	sst s0;
	s0 =	simm.s32 @!p1 $0x0  }
0x14: {  	s2 =	sld [smem:$0x3F98];
	s0 =	simm.s32 @p1 $0x1  }
0x15: {  	[smem:$0x3FB5] =	sst s0;
	s0 =	simm.s32 @!p2 $0x0  }
0x16: {  	s3 =	sld [smem:$0x3FDB];
	s0 =	simm.s32 @p2 $0x1  }
0x17: {  	s4 =	simm.s32 $0x1BF5;
	[smem:$0x3FB7] =	sst s0  }
0x18: {  	s0 =	sld [smem:$0x3F9A];
	_ =	swait.ge [sflag:s4], $0x0  }
0x19: {  	s7 =	sld [smem:$0x3F9B]  }
0x1a: {  	s8 =	sadd.s32 $0xFFFFE003, lr  }
0x1b: {  	s9 =	sadd.s32 $0xFFFFFEF7, lr;
	s5 =	simm.s32 $0xFFFFFFFF;
	p2 =	slt.u32 s8, $0xFFFFF086  }
0x1c: {  	p1 =	slt.u32 s9, $0xF7A;
	s5 =	simm.s32 @!p2 $0x0  }
0x1d: {  	s5 =	simm.s32 @p1 $0x1;
	p0 =	seq.s32 s7, s2  }
0x1e: {  	s7 =	smul.u32 @!p0 $0xF7A, s2;
	p2 =	seq.s32 @!p0 s5, $0x0  }
0x1f: {  	s9 =	smul.u32 $0xF7A, s1;
	s8 =	simm.s32 @!p0 $0x1BF5;
	p2 =	por !p2, p0  }
0x20: {  	[sflag:s8] =	ssyncset.s32 @!p0 $0xFFFFF086;
	s6 =	sadd.s32 @!p0 s3, s7;
	s7 =	simm.s32 @!p0 $0x108  }
0x21: {  	s3 =	sadd.s32 s3, s9;
	s6 =	sadd.s32 @!p0 $0x88, s6;
	s7 =	simm.s32 @p2 $0x1082  }
0x22: {  	[simem:s7], [sflag:s8] =	dma.local @!p0 [hbm:s6], $0xF7A  }
0x23: {  	s9 =	sor.u32 $0xD0000000, s2;
	s6 =	simm.s32 $0x108;
	_ =	swait.ge @!p0 [sflag:s8], $0x0  }
0x24: {  	s3 =	sadd.s32 $0x88, s3;
	s6 =	simm.s32 @!p1 $0x1082;
	[sflag:s4] =	ssyncset.s32 $0xFFFFF086  }
0x25: {  	[simem:s6], [sflag:s4] =	dma.local [hbm:s3], $0xF7A  }
0x26: {  	[smem:$0x3F9B] =	sst s1;
	(tag) =	ssettag s2;
	_ =	strace s9  }
0x27: {  	s1 =	sld [smem:$0x3FAB]  }
0x28: {  	s2 =	sld [smem:$0x3FAC]  }
0x29: {  	s4 =	sld [smem:$0x3FAE]  }
0x2a: {  	p0 =	seq.s32 s5, $0x0;
	s5 =	sld [smem:$0x3FAF]  }
0x2b: {  	s6 =	sld [smem:$0x3FB0]  }
0x2c: {  	s7 =	sld [smem:$0x3FB1]  }
0x2d: {  	s3 =	simm.s32 $0x108;
	s8 =	sld [smem:$0x3FB2]  }
0x2e: {  	s3 =	simm.s32 @!p0 $0x1082;
	s9 =	sld [smem:$0x3FB3]  }
0x2f: {  	lr =	sadd.s32 s0, s3;
	s0 =	sld [smem:$0x3FAA]  }
0x30: {  	s3 =	sld [smem:$0x3FAD]  }
0x31: {  	[smem:$0x3FB6] =	sst s10  }
0x32: {  	s10 =	sld [smem:$0x3FB4];
	_ =	sdelay $0x3  }
0x33: {  	p0 =	seq.s32 s10, $0x1;
	s10 =	sld [smem:$0x3FB6];
	_ =	sdelay $0x3  }
0x34: {  	[smem:$0x3FB6] =	sst s10  }
0x35: {  	s10 =	sld [smem:$0x3FB5];
	_ =	sdelay $0x3  }
0x36: {  	p1 =	seq.s32 s10, $0x1;
	s10 =	sld [smem:$0x3FB6];
	_ =	sdelay $0x3  }
0x37: {  	[smem:$0x3FB6] =	sst s10  }
0x38: {  	s10 =	sld [smem:$0x3FB7]  }
0x39: {  	_ = 	snop;
	(pc) =	sbr.ind lr, $3  }
0x3a: {  	_ = 	snop  }
0x3b: {  	_ = 	snop  }
0x3c: {  	p2 =	seq.s32 s10, $0x1;
	s10 =	sld [smem:$0x3FB6]  }
0x3d: {  	_ =	shalt  }
0x3e: {  	_ =	shalt  }
0x3f: {  	_ =	shalt  }
0x40: {  	_ =	shalt  }
0x41: {  	_ =	shalt  }
0x42: {  	_ =	shalt  }
0x43: {  	_ =	shalt  }
0x44: {  	_ =	shalt  }
0x45: {  	_ =	shalt  }
0x46: {  	_ =	shalt  }
0x47: {  	_ =	shalt  }
0x48: {  	_ =	shalt  }
0x49: {  	_ =	shalt  }
0x4a: {  	_ =	shalt  }
0x4b: {  	_ =	shalt  }
0x4c: {  	_ =	shalt  }
0x4d: {  	_ =	shalt  }
0x4e: {  	_ =	shalt  }
0x4f: {  	_ =	shalt  }
0x50: {  	_ =	shalt  }
0x51: {  	_ =	shalt  }
0x52: {  	_ =	shalt  }
0x53: {  	_ =	shalt  }
0x54: {  	_ =	shalt  }
0x55: {  	_ =	shalt  }
0x56: {  	_ =	shalt  }
0x57: {  	_ =	shalt  }
0x58: {  	_ =	shalt  }
0x59: {  	_ =	shalt  }
0x5a: {  	_ =	shalt  }
0x5b: {  	_ =	shalt  }
0x5c: {  	_ =	shalt  }
0x5d: {  	_ =	shalt  }
0x5e: {  	_ =	shalt  }
0x5f: {  	_ =	shalt  }
0x60: {  	_ =	shalt  }
0x61: {  	_ =	shalt  }
0x62: {  	_ =	shalt  }
0x63: {  	_ =	shalt  }
0x64: {  	_ =	shalt  }
0x65: {  	_ =	shalt  }
0x66: {  	_ =	shalt  }
0x67: {  	_ =	shalt  }
0x68: {  	_ =	shalt  }
0x69: {  	_ =	shalt  }
0x6a: {  	_ =	shalt  }
0x6b: {  	_ =	shalt  }
0x6c: {  	_ =	shalt  }
0x6d: {  	_ =	shalt  }
0x6e: {  	_ =	shalt  }
0x6f: {  	_ =	shalt  }
0x70: {  	_ =	shalt  }
0x71: {  	_ =	shalt  }
0x72: {  	_ =	shalt  }
0x73: {  	_ =	shalt  }
0x74: {  	_ =	shalt  }
0x75: {  	_ =	shalt  }
0x76: {  	_ =	shalt  }
0x77: {  	_ =	shalt  }
0x78: {  	_ =	shalt  }
0x79: {  	_ =	shalt  }
0x7a: {  	_ =	shalt  }
0x7b: {  	_ =	shalt  }
0x7c: {  	_ =	shalt  }
0x7d: {  	_ =	shalt  }
0x7e: {  	_ =	shalt  }
0x7f: {  	_ =	shalt  }
0x80: {  	_ =	shalt  }
0x81: {  	_ =	shalt  }
0x82: {  	_ =	shalt  }
0x83: {  	_ =	shalt  }
0x84: {  	_ =	shalt  }
0x85: {  	_ =	shalt  }
0x86: {  	_ =	shalt  }
0x87: {  	_ =	shalt  }
.Lfunc_end0:
.L_simem_size_0:
called_computation_lowered:
.L_overlay_start_0:
0x88: {  	s2 =	sld [smem:$0x3FD9]  }
0x89: {  	s3 =	sld [smem:$0x3FFE];
	_ =	sdelay $0x1  }
0x8a: {  	s1 =	srdreg.scid  }
0x8b: {  	s0 =	sand.u32 $0x1, s1  }
0x8c: {  	s14 =	sshll.u32 s0, $0xA;
	s2 =	sadd.s32 s3, s2  }
0x8d: {  	s2 =	sadd.s32 s2, s14  }
0x8e: {  	[smem:$0x3FC2] =	sst s2  }
0x8f: {  	_ = 	snop  }
0x90: {  	s2 =	sld [smem:$0x3FD0];
	_ =	sdelay $0x2  }
0x91: {  	s15 =	simm.s32 $0xA;
	s4 =	simm.s32 $0x10  }
0x92: {  	[smem:s4], [sflag:s15] =	dma.local [hbm:s2], $0x1  }
0x93: {  	_ =	swait.eq [sflag:s15], $0x1  }
0x94: {  	[sflag:s15] =	ssyncset.done $0x0  }
0x95: {  	[sflag:s15] =	ssyncadd.s32 $0xFFFFFFFF  }
0x96: {  	s16 =	sld [smem:$0x10];
	(tm) =	ssettm $0x1  }
0x97: {  	s17 =	sld [smem:$0x3FFB];
	_ =	sdelay $0x3  }
0x98: {  	_ =	strace s17  }
0x99: {  	s3 =	sld [smem:$0x3FFC];
	_ =	sdelay $0x3  }
0x9a: {  	_ =	strace s3  }
0x9b: {  	s3 =	sld [smem:$0x3FFD];
	_ =	sdelay $0x3  }
0x9c: {  	_ =	strace s3  }
0x9d: {  	_ =	strace $0x8FFFFFFF  }
0x9e: {  	s18 =	sld [smem:$0x3FDB];
	_ =	sdelay $0x1  }
0x9f: {  	s19 =	simm.s32 $_scs_section_size  }
0xa0: {  	s5 =	simm.s32 $_size__tile_overlayer_lowered;
	s6 =	simm.s32 $_tile_overlayer_lowered  }
0xa1: {  	s22 =	simm.s32 $0x1BFF;
	s21 =	sshll.u32 s6, $0x1;
	s3 =	sadd.s32 s19, s18  }
0xa2: {  	s7 =	simm.s32 $0x0;
	s20 =	sshll.u32 s5, $0x1;
	s5 =	sadd.s32 s21, s3  }
0xa3: {  	[timem:s7], [sflag:s22] =	dma.local [hbm:s5], s20  }
0xa4: {  	_ =	swait.ge [sflag:s22], s20  }
0xa5: {  	s4 =	ssub.s32 $0x0, s20;
	[sflag:s22] =	ssyncset.done $0x0  }
0xa6: {  	[sflag:s22] =	ssyncadd.s32 s4;
	_ =	sdelay $0x1  }
0xa7: {  	s23 =	simm.s32 $0x1B8B  }
0xa8: {  	_ =	swait.ge [sflag:s23], $0x1  }
0xa9: {  	[sflag:s23] =	ssyncset.done $0x0  }
0xaa: {  	s25 =	simm.s32 $0x1B8E;
	s24 =	sld [smem:$0x3FFE];
	[sflag:s23] =	ssyncadd.s32 $0xFFFFFFFF  }
0xab: {  	s26 =	simm.s32 $execute0_lowered;
	[smem:$0x3FD2] =	sst s25  }
0xac: {  	s5 =	sshll.u32 s26, $0x1;
	_ =	strace $0x80000046;
	[dreg:$0x1] =	wrdreg $0xFFFFFFFF  }
0xad: {  	s28 =	simm.s32 $_size_execute0_lowered;
	s3 =	sadd.s32 s3, s5;
	[dreg:$0x0] =	wrdreg $0x0  }
0xae: {  	s5 =	sshll.u32 s28, $0x1;
	[dreg:$0x2] =	wrdreg s3  }
0xaf: {  	[dreg:$0x3] =	wrdreg s5  }
0xb0: {  	[dreg:$0x4] =	wrdreg $0xC0  }
0xb1: {  	_ =	task [dreg:s7], $0x5FFFF  }
0xb2: {  	[dreg:$0x1] =	wrdreg $0xFFFFFFFF  }
0xb3: {  	[dreg:$0x0] =	wrdreg $0x60  }
0xb4: {  	[dreg:$0x2] =	wrdreg s16  }
0xb5: {  	[dreg:$0x3] =	wrdreg s24  }
0xb6: {  	[dreg:$0x4] =	wrdreg $0x9  }
0xb7: {  	_ =	task.clear_ibuf [dreg:s7], $0x5FFFF;
	_ =	strace $0x90000046  }
0xb8: {  	s29 =	simm.s32 $0x9;
	_ =	strace $0x80000048  }
0xb9: {  	_ =	swait.ge [sflag:s29], $0x1  }
0xba: {  	[sflag:s29] =	ssyncadd.s32 $0xFFFFFFFF  }
0xbb: {  	_ =	strace $0x90000048  }
0xbc: {  	_ =	sfence  }
0xbd: {  	s30 =	sld [smem:$0x0];
	_ =	sdelay $0x2  }
0xbe: {  	s31 =	sshll.u32 s1, $0xD;
	s1 =	sshrl.u32 s1, $0x2  }
0xbf: {  	s3 =	sand.u32 $0x4000, s31;
	s1 =	sadd.s32 s1, s30  }
0xc0: {  	s0 =	sor.u32 s3, s0;
	s1 =	sshll.u32 s1, $0x11  }
0xc1: {  	s0 =	sor.u32 s1, s0  }
0xc2: {  	s0 =	sadd.s32 $0x8F2B, s0  }
0xc3: {  	[sflag:s0] =	ssyncadd.remote.s32 $0x1  }
0xc4: {  	_ =	sfence.sel $0xFFFF  }
0xc5: {  	[dreg:$0x0] =	wrdreg $0xFFFFFFFF;
	(pc) =	sbr.abs _section_cstart, $3  }
0xc6: {  	[dreg:$0x1] =	wrdreg $0xFFFFFFFF  }
0xc7: {  	_ =	task.clear_ibuf [dreg:s7], $0x2FFFF;
	_ =	strace $0x9FFFFFFF  }
0xc8: {  	(tm) =	ssettm $0x7FFFFFFF  }
0xc9: {  	_ =	shalt  }
tec
execute0_lowered:
.L_overlay_start_1:
0x0: {  	(tag) =	ssettag $0x1  }
0x1: {  	s1 =	srdreg.scid;
	s0 =	stileid.u32  }
0x2: {  	s2 =	rddreg [dreg:$0x0];
	s10 =	sand.u32 $0x1, s1;
	s29 =	sshll.u32 s0, $0x1  }
0x3: {  	s11 =	rddreg [dreg:$0x1];
	s12 =	sor.u32 s10, s29  }
0x4: {  	s3 =	simm.s32 $0x0;
	s1 =	rddreg [dreg:$0x2];
	s4 =	sshll.u32 s12, $0x5  }
0x5: {  	[smem:$0x7FF] =	sst s3;
	s4 =	sadd.s32 s4, s11  }
0x6: {  	_ =	strace $0x80000047;
	s5 =	sadd.s32 $0x1000, s4;
	s4 =	simm.s32 $0x2  }
0x7: {  	[tilespmem:s3], [sflag:$0x2] =	stream.linear.gather [hbm4b:s5+s3], $0x100, $0x38;
	[tilespmem:$0x2100] =	vst v63  }
0x8: {  	_ =	swait.ge [sflag:s4], $0x100  }
0x9: {  	[sflag:s4] =	ssyncset.done $0x0  }
0xa: {  	s6 =	simm.s32 $0x80;
	s7 =	simm.s32 $0x100;
	[sflag:s4] =	ssyncadd.s32 $0xFFFFFF00  }
0xb: {  	[tilespmem:s7], [sflag:$0x1] =	stream.indirect.gather [hbm4b:s2+s6], $0x20, s3, s6, $0xb8;
	[tilespmem:$0x2100] =	vst v63  }
0xc: {  	s8 =	simm.s32 $0x1100;
	s9 =	simm.s32 $0x1;
	s10 =	ssub.s32 $0x2, s10  }
0xd: {  	[tilespmem:s8], [sflag:$0x1] =	stream.indirect.gather [hbm4b:s2+s6], $0x20, s6, s6, $0xb8;
	[tilespmem:$0x2100] =	vst v63  }
0xe: {  	s13 =	sshrl.u32 s10, $0x1;
	_ =	swait.ge [sflag:s9], $0x1000  }
0xf: {  	s30 =	ssub.s32 s10, s13;
	[sflag:s9] =	ssyncset.done $0x0  }
0x10: {  	s31 =	smax.u32 s30, $0x1;
	[sflag:s9] =	ssyncadd.s32 $0xFFFFF000  }
0x11: {  	s12 =	sshll.u32 s12, $0xA;
	p0 =	sne.s32 s31, $0x1;
	_ =	swait.ge [sflag:s9], $0x1000  }
.Ltmp0:
0x12: {  	s11 =	sadd.s32 s12, s11;
	[sflag:s9] =	ssyncset.done $0x0;
	(pc) =	sbr.rel @!p0 .LBB2_2-.Ltmp0, $4  }
0x13: {  	s10 =	sadd.s32 $0x1400, s11;
	[sflag:s9] =	ssyncadd.s32 $0xFFFFF000  }
0x14: {  	[hbm4b:s10+s3] =	stream.linear.scatter [tilespmem:s7], [sflag:$0x2], $0x2000, $0x38;
	[tilespmem:$0x2100] =	vst v63  }
0x15: {  	_ =	swait.ge [sflag:s4], $0x2000  }
0x16: {  	s11 =	sadd.s32 $0xFFFFFFFF, s31;
	[sflag:s4] =	ssyncset.done $0x0  }
.LBB2_1:
0x17: {  	p0 =	sne.s32 s11, $0x1;
	s11 =	sadd.s32 $0xFFFFFFFF, s11;
	[sflag:s4] =	ssyncadd.s32 $0xFFFFE000  }
0x18: {  	[tilespmem:s3], [sflag:$0x2] =	stream.linear.gather [hbm4b:s5+s3], $0x100, $0x38;
	[tilespmem:$0x2100] =	vst v63  }
0x19: {  	_ =	swait.ge [sflag:s4], $0x100  }
0x1a: {  	[sflag:s4] =	ssyncset.done $0x0  }
0x1b: {  	[sflag:s4] =	ssyncadd.s32 $0xFFFFFF00  }
0x1c: {  	[tilespmem:s7], [sflag:$0x1] =	stream.indirect.gather [hbm4b:s2+s6], $0x20, s3, s6, $0xb8;
	[tilespmem:$0x2100] =	vst v63  }
0x1d: {  	_ = 	snop  }
0x1e: {  	[tilespmem:s8], [sflag:$0x1] =	stream.indirect.gather [hbm4b:s2+s6], $0x20, s6, s6, $0xb8;
	[tilespmem:$0x2100] =	vst v63  }
0x1f: {  	_ =	swait.ge [sflag:s9], $0x1000  }
0x20: {  	[sflag:s9] =	ssyncset.done $0x0  }
0x21: {  	[sflag:s9] =	ssyncadd.s32 $0xFFFFF000  }
0x22: {  	_ =	swait.ge [sflag:s9], $0x1000  }
.Ltmp1:
0x23: {  	[sflag:s9] =	ssyncset.done $0x0;
	(pc) =	sbr.rel @p0 .LBB2_1-.Ltmp1, $4  }
0x24: {  	[sflag:s9] =	ssyncadd.s32 $0xFFFFF000  }
0x25: {  	[hbm4b:s10+s3] =	stream.linear.scatter [tilespmem:s7], [sflag:$0x2], $0x2000, $0x38;
	[tilespmem:$0x2100] =	vst v63  }
0x26: {  	_ =	swait.ge [sflag:s4], $0x2000  }
0x27: {  	[sflag:s4] =	ssyncset.done $0x0  }
.LBB2_2:
0x28: {  	[sflag:s4] =	ssyncadd.s32 $0xFFFFE000  }
0x29: {  	_ =	sfence.sel $0x180000  }
0x2a: {  	[bflag:$0x0] =	sbarrier.arrive $0xFFFF  }
0x2b: {  	p0 =	sne.s32 s0, $0x0;
	_ =	strace $0x90000047  }
0x2c: {  	s0 =	sadd.s32 @!p0 $0x100000, s1;
	[bflag:$0x2] =	sbarrier.arrive $0xFFFF  }
0x2d: {  	[sflag:s0] =	ssyncadd.tile.s32 @!p0 $0x1;
	_ =	shalt  }
.Lfunc_end2:
_tile_overlayer_lowered:
.L_overlay_start_2:
0x2e: {  	(tag) =	ssettag $0x2  }
0x2f: {  	s0 =	rddreg [dreg:$0x0];
	s2 =	stileid.u32  }
0x30: {  	s1 =	rddreg [dreg:$0x1];
	p0 =	sne.s32 s2, $0x0  }
0x31: {  	s3 =	rddreg [dreg:$0x2];
	[bflag:$0x3] =	sbarrier.arrive $0xFFFF;
	s2 =	simm.s32 @!p0 $0x1C02  }
0x32: {  	[timem:s3], [sflag:s2] =	dma.local @!p0 [hbm:s0], s1  }
0x33: {  	s0 =	simm.s32 @!p0 $0x2  }
0x34: {  	_ =	swait.ge @!p0 [sflag:s0], s1  }
0x35: {  	s1 =	ssub.s32 @!p0 $0x0, s1;
	[sflag:s0] =	ssyncset.done @!p0 $0x0  }
0x36: {  	[sflag:s0] =	ssyncadd.s32 @!p0 s1  }
0x37: {  	[bflag:$0x3] =	sbarrier.arrive $0xFFFF  }
0x38: {  	_ =	shalt  }

</sc_bundles>
